<compile_context>
chip_gen: v7x
topology: tpu7x:2x2x1
jax: 0.10.2.dev20260603
libtpu: 0.0.44.dev20260713+nightly
codegen_flags: <defaults>
</compile_context>

<pallas_src>
import functools

import jax
import jax.numpy as jnp
from jax import lax
from jax.experimental import pallas as pl
from jax.experimental.pallas import tpu as pltpu
from jax.experimental.pallas import tpu_sc as plsc

NC = 2
NS = 16
CHUNK = 128


def _sc_mesh():
    return plsc.VectorSubcoreMesh(
        core_axis_name="c", subcore_axis_name="s", num_cores=NC, num_subcores=NS
    )


def _sc_degree_call(dst_p, n, npad, e_pad):
    per_w = e_pad // (NC * NS)
    nchunks = per_w // CHUNK
    drain = n // 10

    @functools.partial(
        pl.kernel,
        mesh=_sc_mesh(),
        out_type=jax.ShapeDtypeStruct((2 * n, 128), jnp.float32),
        scratch_types=[
            pltpu.VMEM_SHARED((npad, 128), jnp.float32),
            pltpu.VMEM((CHUNK, 128), jnp.float32),
            pltpu.VMEM((1, CHUNK), jnp.int32),
        ],
    )
    def deg_k(dst_hbm, ones_hbm, zeros_hbm, out_hbm, acc, ones_v, idx_v):
        c = lax.axis_index("c")
        s = lax.axis_index("s")
        w = s * NC + c
        rows_per = npad // NS
        pltpu.sync_copy(zeros_hbm, acc.at[pl.ds(s * rows_per, rows_per)])
        pltpu.sync_copy(ones_hbm, ones_v)
        plsc.subcore_barrier()
        base = w * per_w

        def body(k, carry):
            b0 = base + k * CHUNK
            pltpu.sync_copy(dst_hbm.at[pl.ds(b0, CHUNK)], idx_v.at[0])
            pltpu.sync_copy(ones_v, acc.at[idx_v.at[0]], add=True)
            return carry

        lax.fori_loop(0, nchunks, body, 0)
        plsc.subcore_barrier()

        @pl.when(s < 10)
        def _():
            pltpu.sync_copy(
                acc.at[pl.ds(s * drain, drain)],
                out_hbm.at[pl.ds(c * n + s * drain, drain)],
            )

    ones = jnp.ones((CHUNK, 128), jnp.float32)
    zeros = jnp.zeros((npad // NS, 128), jnp.float32)
    return deg_k(dst_p, ones, zeros)


def _sc_conv_call(table, src_p, dst_p, n, npad, e_pad, split_cols):
    if split_cols:
        per = e_pad // NS
    else:
        per = e_pad // (NC * NS)
    nchunks = per // CHUNK
    drain = n // 10

    @functools.partial(
        pl.kernel,
        mesh=_sc_mesh(),
        out_type=jax.ShapeDtypeStruct((2 * n, 128), jnp.float32),
        scratch_types=[
            pltpu.VMEM_SHARED((npad, 128), jnp.float32),
            pltpu.VMEM((1, CHUNK), jnp.int32),
            pltpu.VMEM((1, CHUNK), jnp.int32),
            pltpu.VMEM((CHUNK, 128), jnp.float32),
            pltpu.SemaphoreType.DMA,
        ],
    )
    def conv_k(table_hbm, src_hbm, dst_hbm, zeros_hbm, out_hbm,
               acc, sidx, didx, rows_v, sem):
        c = lax.axis_index("c")
        s = lax.axis_index("s")
        rows_per = npad // NS
        pltpu.sync_copy(zeros_hbm, acc.at[pl.ds(s * rows_per, rows_per)])
        plsc.subcore_barrier()
        if split_cols:
            base = s * per
            roff = c * n
        else:
            base = (s * NC + c) * per
            roff = None

        def body(k, carry):
            b0 = base + k * CHUNK
            pltpu.sync_copy(src_hbm.at[pl.ds(b0, CHUNK)], sidx.at[0])
            pltpu.sync_copy(dst_hbm.at[pl.ds(b0, CHUNK)], didx.at[0])
            if roff is not None:
                for l in range(CHUNK // 16):
                    sidx[0, pl.ds(l * 16, 16)] = (
                        sidx[0, pl.ds(l * 16, 16)] + roff
                    )
            pltpu.async_copy(table_hbm.at[sidx.at[0]], rows_v, sem).wait()
            pltpu.sync_copy(rows_v, acc.at[didx.at[0]], add=True)
            return carry

        lax.fori_loop(0, nchunks, body, 0)
        plsc.subcore_barrier()

        @pl.when(s < 10)
        def _():
            pltpu.sync_copy(
                acc.at[pl.ds(s * drain, drain)],
                out_hbm.at[pl.ds(c * n + s * drain, drain)],
            )

    zeros = jnp.zeros((npad // NS, 128), jnp.float32)
    return conv_k(table, src_p, dst_p, zeros)


def _dinv_from(d0, d1):
    return lax.rsqrt(d0[:, 0:1] + d1[:, 0:1] + 1.0)


def _tc_mm1_call(x, W1, degp, n, bm):
    g = n // bm

    def body(x_ref, w_ref, d0, d1, o_ref):
        dinv = _dinv_from(d0[...], d1[...])
        m = jnp.dot(x_ref[...], w_ref[...],
                    preferred_element_type=jnp.float32) * dinv
        o_ref[0, :, :] = m[:, :128]
        o_ref[1, :, :] = m[:, 128:]

    return pl.pallas_call(
        body,
        grid=(g,),
        in_specs=[
            pl.BlockSpec((bm, 256), lambda i: (i, 0)),
            pl.BlockSpec((256, 256), lambda i: (0, 0)),
            pl.BlockSpec((bm, 128), lambda i: (i, 0)),
            pl.BlockSpec((bm, 128), lambda i: (i + g, 0)),
        ],
        out_specs=pl.BlockSpec((2, bm, 128), lambda i: (0, i, 0)),
        out_shape=jax.ShapeDtypeStruct((2, n, 128), jnp.float32),
    )(x, W1, degp, degp)


def _tc_mm2_call(s1, g1, degp, W2, b1, n, bm):
    g = n // bm

    def body(s1_ref, g1_ref, d0, d1, w2_ref, b1_ref, o_ref):
        dinv = _dinv_from(d0[...], d1[...])
        h0 = jax.nn.relu(dinv * (s1_ref[0, :, :] + g1_ref[0, :, :])
                         + b1_ref[0:1, 0:128])
        h1 = jax.nn.relu(dinv * (s1_ref[1, :, :] + g1_ref[1, :, :])
                         + b1_ref[0:1, 128:256])
        m = jnp.dot(h0, w2_ref[0, :, :], preferred_element_type=jnp.float32)
        m = m + jnp.dot(h1, w2_ref[1, :, :],
                        preferred_element_type=jnp.float32)
        o_ref[...] = dinv * m

    return pl.pallas_call(
        body,
        grid=(g,),
        in_specs=[
            pl.BlockSpec((2, bm, 128), lambda i: (0, i, 0)),
            pl.BlockSpec((2, bm, 128), lambda i: (0, i, 0)),
            pl.BlockSpec((bm, 128), lambda i: (i, 0)),
            pl.BlockSpec((bm, 128), lambda i: (i + g, 0)),
            pl.BlockSpec((2, 128, 128), lambda i: (0, 0, 0)),
            pl.BlockSpec((1, 256), lambda i: (0, 0)),
        ],
        out_specs=pl.BlockSpec((bm, 128), lambda i: (i, 0)),
        out_shape=jax.ShapeDtypeStruct((n, 128), jnp.float32),
    )(s1, g1, degp, degp, W2.reshape(2, 128, 128), b1.reshape(1, 256))


def _tc_zfin_call(s2, g2, degp, b2, n, bm):
    g = n // bm

    def body(s2_ref, g2_ref, d0, d1, b2_ref, o_ref):
        dinv = _dinv_from(d0[...], d1[...])
        o_ref[...] = (dinv * (s2_ref[0, :, :] + s2_ref[1, :, :] + g2_ref[...])
                      + b2_ref[0:1, :])

    return pl.pallas_call(
        body,
        grid=(g,),
        in_specs=[
            pl.BlockSpec((2, bm, 128), lambda i: (0, i, 0)),
            pl.BlockSpec((bm, 128), lambda i: (i, 0)),
            pl.BlockSpec((bm, 128), lambda i: (i, 0)),
            pl.BlockSpec((bm, 128), lambda i: (i + g, 0)),
            pl.BlockSpec((1, 128), lambda i: (0, 0)),
        ],
        out_specs=pl.BlockSpec((bm, 128), lambda i: (i, 0)),
        out_shape=jax.ShapeDtypeStruct((n, 128), jnp.float32),
    )(s2, g2, degp, degp, b2.reshape(1, 128))


def _tc_decoder_call(z, n, bm):
    g = n // bm

    def body(zi_ref, zall_ref, o_ref):
        acc = lax.dot_general(
            zi_ref[...], zall_ref[...],
            (((1,), (1,)), ((), ())),
            preferred_element_type=jnp.float32,
        )
        o_ref[...] = jax.nn.sigmoid(acc)

    return pl.pallas_call(
        body,
        grid=(g,),
        in_specs=[
            pl.BlockSpec((bm, 128), lambda i: (i, 0)),
            pl.BlockSpec((n, 128), lambda i: (0, 0)),
        ],
        out_specs=pl.BlockSpec((bm, n), lambda i: (i, 0)),
        out_shape=jax.ShapeDtypeStruct((n, n), jnp.float32),
    )(z, z)


def kernel(x, edge_index, W1, b1, W2, b2):
    n = x.shape[0]
    e = edge_index.shape[1]
    e_pad = -(-e // 4096) * 4096
    npad = (-(-(n + 1) // 128)) * 128

    src = edge_index[0]
    dst = edge_index[1]
    pad = e_pad - e
    if pad:
        src_p = jnp.concatenate([src, jnp.zeros((pad,), jnp.int32)])
        dst_p = jnp.concatenate([dst, jnp.full((pad,), n, jnp.int32)])
    else:
        src_p, dst_p = src, dst

    degp = _sc_degree_call(dst_p, n, npad, e_pad)
    g1 = _tc_mm1_call(x, W1, degp, n, bm=1000)
    s1 = _sc_conv_call(g1.reshape(2 * n, 128), src_p, dst_p,
                       n, npad, e_pad, split_cols=True)
    g2 = _tc_mm2_call(s1.reshape(2, n, 128), g1, degp, W2, b1,
                      n, bm=1000)
    s2 = _sc_conv_call(g2, src_p, dst_p, n, npad, e_pad,
                       split_cols=False)
    z = _tc_zfin_call(s2.reshape(2, n, 128), g2, degp, b2, n, bm=1000)
    adj = _tc_decoder_call(z, n, bm=400)
    return adj, z

# --- scband reference (transcript-rebuilt; emitter-appended) ---
"""Pipeline reference for scband-rilink-pred-net-51513837748920 (READ-ONLY COPY).

The authoritative reference and input builder live on the scoring server;
editing this copy changes nothing except your own understanding.
"""

import jax, jax.numpy as jnp
import numpy as np

N = 10000
E = 320000
D_IN = 256
H = 256
D_OUT = 128


def setup_inputs(seed: int = 0) -> dict:
    key = jax.random.key(seed)
    k1, k2, k3, k4 = jax.random.split(key, 4)
    x = jax.random.normal(k1, (N, D_IN), dtype=jnp.float32)
    edge_index = jax.random.randint(k2, (2, E), 0, N, dtype=jnp.int32)
    W1 = jax.random.normal(k3, (D_IN, H), dtype=jnp.float32) * (1.0 / np.sqrt(D_IN))
    b1 = jnp.zeros((H,), dtype=jnp.float32)
    W2 = jax.random.normal(k4, (H, D_OUT), dtype=jnp.float32) * (1.0 / np.sqrt(H))
    b2 = jnp.zeros((D_OUT,), dtype=jnp.float32)
    return {"x": x, "edge_index": edge_index, "W1": W1, "b1": b1, "W2": W2, "b2": b2}


def reference(x, edge_index, W1, b1, W2, b2):
    n = x.shape[0]
    # RILayer treated as identity (random-identity features already materialized in x)
    loop = jnp.arange(n, dtype=edge_index.dtype)
    src = jnp.concatenate([edge_index[0], loop])
    dst = jnp.concatenate([edge_index[1], loop])
    # symmetric GCN normalization with self-loops
    deg = jnp.zeros((n,), dtype=x.dtype).at[dst].add(1.0)
    dinv = jax.lax.rsqrt(jnp.maximum(deg, 1e-12))
    norm = dinv[src] * dinv[dst]

    def conv(h):
        msg = norm[:, None] * jnp.take(h, src, axis=0)
        return jnp.zeros((n, h.shape[1]), dtype=h.dtype).at[dst].add(msg)

    # Encoder: GCNConv -> relu -> GCNConv
    h1 = jax.nn.relu(conv(x @ W1) + b1)
    z = conv(h1 @ W2) + b2
    # Decoder: sigmoid(z @ z.T)
    adj_pred = jax.nn.sigmoid(z @ z.T)
    return adj_pred, z

if __name__ == "__main__":
    import jax
    _d = setup_inputs()
    print(jax.jit(kernel)(*tuple(_d.values())))

</pallas_src>

<mosaic_0001>
#map = affine_map<(d0, d1) -> (0, 0)>
#map1 = affine_map<(d0, d1) -> (0)>
module attributes {stable_mosaic.version = 14 : i64} {
  func.func @conv_k(%arg0: i32, %arg1: i32, %arg2: memref<10000x128xf32, #tpu.memory_space<hbm>>, %arg3: memref<323584xi32, #tpu.memory_space<hbm>>, %arg4: memref<323584xi32, #tpu.memory_space<hbm>>, %arg5: memref<632x128xf32, #tpu.memory_space<hbm>>, %arg6: memref<20000x128xf32, #tpu.memory_space<hbm>>, %arg7: memref<10112x128xf32, #tpu.memory_space<vmem_shared>>, %arg8: memref<1x128xi32, #tpu.memory_space<vmem>>, %arg9: memref<1x128xi32, #tpu.memory_space<vmem>>, %arg10: memref<128x128xf32, #tpu.memory_space<vmem>>, %arg11: memref<!tpu.dma_semaphore, #tpu.memory_space<semaphore_mem>>) attributes {dimension_semantics = [#tpu.dimension_semantics<core_parallel>, #tpu.dimension_semantics<subcore_parallel>], iteration_bounds = array<i64: 2, 16>, scalar_prefetch = 0 : i64, scratch_operands = 5 : i64, tpu.core_type = #tpu.core_type<sc_vector_subcore>, window_params = [{transform_indices = #map}, {transform_indices = #map1}, {transform_indices = #map1}, {transform_indices = #map}, {transform_indices = #map}]} {
    %mul3A = arith.constant 632 : i32
    %mul3A_0 = arith.muli %arg1, %mul3A : i32
    "tpu.region"() ({
      %run_scoped3A = tpu.sem_alloc : memref<!tpu.dma_semaphore, #tpu.memory_space<semaphore_mem>>
      %dma_start3A = arith.constant 0 : i32
      %dma_start3A_13 = tpu.memref_slice %arg7[%mul3A_0, %dma_start3A] : memref<10112x128xf32, #tpu.memory_space<vmem_shared>> -> memref<632x128xf32, #tpu.memory_space<vmem_shared>>
      tpu.enqueue_dma source(%arg5 : memref<632x128xf32, #tpu.memory_space<hbm>>) target(%dma_start3A_13 : memref<632x128xf32, #tpu.memory_space<vmem_shared>>) target_semaphore(%run_scoped3A : memref<!tpu.dma_semaphore, #tpu.memory_space<semaphore_mem>>)
      %dma_wait3A = arith.constant 0 : i32
      %dma_wait3A_14 = tpu.memref_slice %arg7[%mul3A_0, %dma_wait3A] : memref<10112x128xf32, #tpu.memory_space<vmem_shared>> -> memref<632x128xf32, #tpu.memory_space<vmem_shared>>
      tpu.wait_dma2 semaphore(%run_scoped3A : memref<!tpu.dma_semaphore, #tpu.memory_space<semaphore_mem>>) src(%arg5 : memref<632x128xf32, #tpu.memory_space<hbm>>) dst(%dma_wait3A_14 : memref<632x128xf32, #tpu.memory_space<vmem_shared>>)
      tpu.yield
    }) : () -> ()
    %barrier3A = arith.constant 0 : index
    tpu.barrier barrier_id(%barrier3A)
    %mul3A_1 = arith.constant 2 : i32
    %mul3A_2 = arith.muli %arg1, %mul3A_1 : i32
    %add3A = arith.addi %mul3A_2, %arg0 : i32
    %mul3A_3 = arith.constant 10112 : i32
    %mul3A_4 = arith.muli %add3A, %mul3A_3 : i32
    %scan3A = arith.constant 0 : i32
    %scan3A_5 = arith.constant 0 : i32
    %scan3A_6 = arith.constant 79 : i32
    %scan3A_7 = arith.addi %scan3A_5, %scan3A_6 : i32
    %scan3A_8 = arith.constant 1 : i32
    scf.for %scan3A_13 = %scan3A_5 to %scan3A_7 step %scan3A_8  : i32 {
      %mul3A_14 = arith.constant 128 : i32
      %mul3A_15 = arith.muli %scan3A_13, %mul3A_14 : i32
      %add3A_16 = arith.addi %mul3A_4, %mul3A_15 : i32
      %run_scoped3A = arith.constant 0 : i32
      "tpu.region"() ({
        %run_scoped3A_31 = tpu.sem_alloc : memref<!tpu.dma_semaphore, #tpu.memory_space<semaphore_mem>>
        %dma_start3A_32 = arith.constant 0 : i32
        %dma_start3A_33 = tpu.memref_slice %arg8[%run_scoped3A, %dma_start3A_32] : memref<1x128xi32, #tpu.memory_space<vmem>> -> memref<1x128xi32, #tpu.memory_space<vmem>>
        %dma_start3A_34 = tpu.memref_squeeze %dma_start3A_33 : memref<1x128xi32, #tpu.memory_space<vmem>> -> memref<128xi32, #tpu.memory_space<vmem>>
        %dma_start3A_35 = tpu.memref_slice %arg3[%add3A_16] : memref<323584xi32, #tpu.memory_space<hbm>> -> memref<128xi32, #tpu.memory_space<hbm>>
        %dma_start3A_36 = arith.constant 0 : i32
        %dma_start3A_37 = tpu.memref_slice %arg8[%run_scoped3A, %dma_start3A_36] : memref<1x128xi32, #tpu.memory_space<vmem>> -> memref<1x128xi32, #tpu.memory_space<vmem>>
        %dma_start3A_38 = tpu.memref_squeeze %dma_start3A_37 : memref<1x128xi32, #tpu.memory_space<vmem>> -> memref<128xi32, #tpu.memory_space<vmem>>
        %dma_start3A_39 = tpu.memref_slice %arg3[%add3A_16] : memref<323584xi32, #tpu.memory_space<hbm>> -> memref<128xi32, #tpu.memory_space<hbm>>
        tpu.enqueue_dma source(%dma_start3A_39 : memref<128xi32, #tpu.memory_space<hbm>>) target(%dma_start3A_38 : memref<128xi32, #tpu.memory_space<vmem>>) target_semaphore(%run_scoped3A_31 : memref<!tpu.dma_semaphore, #tpu.memory_space<semaphore_mem>>)
        %dma_wait3A_40 = arith.constant 0 : i32
        %dma_wait3A_41 = tpu.memref_slice %arg8[%run_scoped3A, %dma_wait3A_40] : memref<1x128xi32, #tpu.memory_space<vmem>> -> memref<1x128xi32, #tpu.memory_space<vmem>>
        %dma_wait3A_42 = tpu.memref_squeeze %dma_wait3A_41 : memref<1x128xi32, #tpu.memory_space<vmem>> -> memref<128xi32, #tpu.memory_space<vmem>>
        %dma_wait3A_43 = tpu.memref_slice %arg3[%add3A_16] : memref<323584xi32, #tpu.memory_space<hbm>> -> memref<128xi32, #tpu.memory_space<hbm>>
        %dma_wait3A_44 = arith.constant 0 : i32
        %dma_wait3A_45 = tpu.memref_slice %arg8[%run_scoped3A, %dma_wait3A_44] : memref<1x128xi32, #tpu.memory_space<vmem>> -> memref<1x128xi32, #tpu.memory_space<vmem>>
        %dma_wait3A_46 = tpu.memref_squeeze %dma_wait3A_45 : memref<1x128xi32, #tpu.memory_space<vmem>> -> memref<128xi32, #tpu.memory_space<vmem>>
        %dma_wait3A_47 = tpu.memref_slice %arg3[%add3A_16] : memref<323584xi32, #tpu.memory_space<hbm>> -> memref<128xi32, #tpu.memory_space<hbm>>
        tpu.wait_dma2 semaphore(%run_scoped3A_31 : memref<!tpu.dma_semaphore, #tpu.memory_space<semaphore_mem>>) src(%dma_wait3A_47 : memref<128xi32, #tpu.memory_space<hbm>>) dst(%dma_wait3A_46 : memref<128xi32, #tpu.memory_space<vmem>>)
        tpu.yield
      }) : () -> ()
      %run_scoped3A_17 = arith.constant 0 : i32
      "tpu.region"() ({
        %run_scoped3A_31 = tpu.sem_alloc : memref<!tpu.dma_semaphore, #tpu.memory_space<semaphore_mem>>
        %dma_start3A_32 = arith.constant 0 : i32
        %dma_start3A_33 = tpu.memref_slice %arg9[%run_scoped3A_17, %dma_start3A_32] : memref<1x128xi32, #tpu.memory_space<vmem>> -> memref<1x128xi32, #tpu.memory_space<vmem>>
        %dma_start3A_34 = tpu.memref_squeeze %dma_start3A_33 : memref<1x128xi32, #tpu.memory_space<vmem>> -> memref<128xi32, #tpu.memory_space<vmem>>
        %dma_start3A_35 = tpu.memref_slice %arg4[%add3A_16] : memref<323584xi32, #tpu.memory_space<hbm>> -> memref<128xi32, #tpu.memory_space<hbm>>
        %dma_start3A_36 = arith.constant 0 : i32
        %dma_start3A_37 = tpu.memref_slice %arg9[%run_scoped3A_17, %dma_start3A_36] : memref<1x128xi32, #tpu.memory_space<vmem>> -> memref<1x128xi32, #tpu.memory_space<vmem>>
        %dma_start3A_38 = tpu.memref_squeeze %dma_start3A_37 : memref<1x128xi32, #tpu.memory_space<vmem>> -> memref<128xi32, #tpu.memory_space<vmem>>
        %dma_start3A_39 = tpu.memref_slice %arg4[%add3A_16] : memref<323584xi32, #tpu.memory_space<hbm>> -> memref<128xi32, #tpu.memory_space<hbm>>
        tpu.enqueue_dma source(%dma_start3A_39 : memref<128xi32, #tpu.memory_space<hbm>>) target(%dma_start3A_38 : memref<128xi32, #tpu.memory_space<vmem>>) target_semaphore(%run_scoped3A_31 : memref<!tpu.dma_semaphore, #tpu.memory_space<semaphore_mem>>)
        %dma_wait3A_40 = arith.constant 0 : i32
        %dma_wait3A_41 = tpu.memref_slice %arg9[%run_scoped3A_17, %dma_wait3A_40] : memref<1x128xi32, #tpu.memory_space<vmem>> -> memref<1x128xi32, #tpu.memory_space<vmem>>
        %dma_wait3A_42 = tpu.memref_squeeze %dma_wait3A_41 : memref<1x128xi32, #tpu.memory_space<vmem>> -> memref<128xi32, #tpu.memory_space<vmem>>
        %dma_wait3A_43 = tpu.memref_slice %arg4[%add3A_16] : memref<323584xi32, #tpu.memory_space<hbm>> -> memref<128xi32, #tpu.memory_space<hbm>>
        %dma_wait3A_44 = arith.constant 0 : i32
        %dma_wait3A_45 = tpu.memref_slice %arg9[%run_scoped3A_17, %dma_wait3A_44] : memref<1x128xi32, #tpu.memory_space<vmem>> -> memref<1x128xi32, #tpu.memory_space<vmem>>
        %dma_wait3A_46 = tpu.memref_squeeze %dma_wait3A_45 : memref<1x128xi32, #tpu.memory_space<vmem>> -> memref<128xi32, #tpu.memory_space<vmem>>
        %dma_wait3A_47 = tpu.memref_slice %arg4[%add3A_16] : memref<323584xi32, #tpu.memory_space<hbm>> -> memref<128xi32, #tpu.memory_space<hbm>>
        tpu.wait_dma2 semaphore(%run_scoped3A_31 : memref<!tpu.dma_semaphore, #tpu.memory_space<semaphore_mem>>) src(%dma_wait3A_47 : memref<128xi32, #tpu.memory_space<hbm>>) dst(%dma_wait3A_46 : memref<128xi32, #tpu.memory_space<vmem>>)
        tpu.yield
      }) : () -> ()
      %dma_start3A = arith.constant 0 : i32
      %dma_start3A_18 = arith.constant 0 : i32
      %dma_start3A_19 = tpu.memref_slice %arg8[%dma_start3A, %dma_start3A_18] : memref<1x128xi32, #tpu.memory_space<vmem>> -> memref<1x128xi32, #tpu.memory_space<vmem>>
      %dma_start3A_20 = tpu.memref_squeeze %dma_start3A_19 : memref<1x128xi32, #tpu.memory_space<vmem>> -> memref<128xi32, #tpu.memory_space<vmem>>
      %dma_start3A_21 = arith.constant 0 : i32
      %dma_start3A_22 = arith.constant 0 : i32
      %dma_start3A_23 = tpu.memref_slice %arg2[%dma_start3A_21, %dma_start3A_22] : memref<10000x128xf32, #tpu.memory_space<hbm>> -> memref<10000x128xf32, #tpu.memory_space<hbm>>
      tpu.enqueue_indirect_dma source(%dma_start3A_23 : memref<10000x128xf32, #tpu.memory_space<hbm>>) target(%arg10 : memref<128x128xf32, #tpu.memory_space<vmem>>) offsets(%dma_start3A_20 : memref<128xi32, #tpu.memory_space<vmem>>) semaphore(%arg11 : memref<!tpu.dma_semaphore, #tpu.memory_space<semaphore_mem>>)
      %dma_wait3A = arith.constant 0 : i32
      %dma_wait3A_24 = arith.constant 0 : i32
      %dma_wait3A_25 = tpu.memref_slice %arg8[%dma_wait3A, %dma_wait3A_24] : memref<1x128xi32, #tpu.memory_space<vmem>> -> memref<1x128xi32, #tpu.memory_space<vmem>>
      %dma_wait3A_26 = tpu.memref_squeeze %dma_wait3A_25 : memref<1x128xi32, #tpu.memory_space<vmem>> -> memref<128xi32, #tpu.memory_space<vmem>>
      %dma_wait3A_27 = arith.constant 0 : i32
      %dma_wait3A_28 = arith.constant 0 : i32
      %dma_wait3A_29 = tpu.memref_slice %arg2[%dma_wait3A_27, %dma_wait3A_28] : memref<10000x128xf32, #tpu.memory_space<hbm>> -> memref<10000x128xf32, #tpu.memory_space<hbm>>
      tpu.wait_indirect_dma semaphore(%arg11 : memref<!tpu.dma_semaphore, #tpu.memory_space<semaphore_mem>>) src(%dma_wait3A_29 : memref<10000x128xf32, #tpu.memory_space<hbm>>) dst(%arg10 : memref<128x128xf32, #tpu.memory_space<vmem>>)
      %run_scoped3A_30 = arith.constant 0 : i32
      "tpu.region"() ({
        %run_scoped3A_31 = tpu.sem_alloc : memref<!tpu.dma_semaphore, #tpu.memory_space<semaphore_mem>>
        %dma_start3A_32 = arith.constant 0 : i32
        %dma_start3A_33 = tpu.memref_slice %arg9[%run_scoped3A_30, %dma_start3A_32] : memref<1x128xi32, #tpu.memory_space<vmem>> -> memref<1x128xi32, #tpu.memory_space<vmem>>
        %dma_start3A_34 = tpu.memref_squeeze %dma_start3A_33 : memref<1x128xi32, #tpu.memory_space<vmem>> -> memref<128xi32, #tpu.memory_space<vmem>>
        %dma_start3A_35 = arith.constant 0 : i32
        %dma_start3A_36 = arith.constant 0 : i32
        %dma_start3A_37 = tpu.memref_slice %arg7[%dma_start3A_35, %dma_start3A_36] : memref<10112x128xf32, #tpu.memory_space<vmem_shared>> -> memref<10112x128xf32, #tpu.memory_space<vmem_shared>>
        tpu.enqueue_indirect_dma source(%arg10 : memref<128x128xf32, #tpu.memory_space<vmem>>) target(%dma_start3A_37 : memref<10112x128xf32, #tpu.memory_space<vmem_shared>>) offsets(%dma_start3A_34 : memref<128xi32, #tpu.memory_space<vmem>>) semaphore(%run_scoped3A_31 : memref<!tpu.dma_semaphore, #tpu.memory_space<semaphore_mem>>) {add = true}
        %dma_wait3A_38 = arith.constant 0 : i32
        %dma_wait3A_39 = tpu.memref_slice %arg9[%run_scoped3A_30, %dma_wait3A_38] : memref<1x128xi32, #tpu.memory_space<vmem>> -> memref<1x128xi32, #tpu.memory_space<vmem>>
        %dma_wait3A_40 = tpu.memref_squeeze %dma_wait3A_39 : memref<1x128xi32, #tpu.memory_space<vmem>> -> memref<128xi32, #tpu.memory_space<vmem>>
        %dma_wait3A_41 = arith.constant 0 : i32
        %dma_wait3A_42 = arith.constant 0 : i32
        %dma_wait3A_43 = tpu.memref_slice %arg7[%dma_wait3A_41, %dma_wait3A_42] : memref<10112x128xf32, #tpu.memory_space<vmem_shared>> -> memref<10112x128xf32, #tpu.memory_space<vmem_shared>>
        tpu.wait_indirect_dma semaphore(%run_scoped3A_31 : memref<!tpu.dma_semaphore, #tpu.memory_space<semaphore_mem>>) src(%arg10 : memref<128x128xf32, #tpu.memory_space<vmem>>) dst(%dma_wait3A_43 : memref<10112x128xf32, #tpu.memory_space<vmem_shared>>)
        tpu.yield
      }) : () -> ()
    }
    %scan3A_9 = arith.constant 79 : i32
    %barrier3A_10 = arith.constant 0 : index
    tpu.barrier barrier_id(%barrier3A_10)
    %lt3A = arith.constant 10 : i32
    %lt3A_11 = arith.cmpi slt, %arg1, %lt3A : i32
    %convert_element_type3A = arith.extui %lt3A_11 : i1 to i32
    %cond3A = arith.constant 0 : i32
    %cond3A_12 = arith.cmpi ne, %convert_element_type3A, %cond3A : i32
    scf.if %cond3A_12 {
      %mul3A_13 = arith.constant 1000 : i32
      %mul3A_14 = arith.muli %arg1, %mul3A_13 : i32
      %mul3A_15 = arith.constant 10000 : i32
      %mul3A_16 = arith.muli %arg0, %mul3A_15 : i32
      %mul3A_17 = arith.constant 1000 : i32
      %mul3A_18 = arith.muli %arg1, %mul3A_17 : i32
      %add3A_19 = arith.addi %mul3A_16, %mul3A_18 : i32
      "tpu.region"() ({
        %run_scoped3A = tpu.sem_alloc : memref<!tpu.dma_semaphore, #tpu.memory_space<semaphore_mem>>
        %dma_start3A = arith.constant 0 : i32
        %dma_start3A_20 = tpu.memref_slice %arg6[%add3A_19, %dma_start3A] : memref<20000x128xf32, #tpu.memory_space<hbm>> -> memref<1000x128xf32, #tpu.memory_space<hbm>>
        %dma_start3A_21 = arith.constant 0 : i32
        %dma_start3A_22 = tpu.memref_slice %arg7[%mul3A_14, %dma_start3A_21] : memref<10112x128xf32, #tpu.memory_space<vmem_shared>> -> memref<1000x128xf32, #tpu.memory_space<vmem_shared>>
        tpu.enqueue_dma source(%dma_start3A_22 : memref<1000x128xf32, #tpu.memory_space<vmem_shared>>) target(%dma_start3A_20 : memref<1000x128xf32, #tpu.memory_space<hbm>>) target_semaphore(%run_scoped3A : memref<!tpu.dma_semaphore, #tpu.memory_space<semaphore_mem>>)
        %dma_wait3A = arith.constant 0 : i32
        %dma_wait3A_23 = tpu.memref_slice %arg6[%add3A_19, %dma_wait3A] : memref<20000x128xf32, #tpu.memory_space<hbm>> -> memref<1000x128xf32, #tpu.memory_space<hbm>>
        %dma_wait3A_24 = arith.constant 0 : i32
        %dma_wait3A_25 = tpu.memref_slice %arg7[%mul3A_14, %dma_wait3A_24] : memref<10112x128xf32, #tpu.memory_space<vmem_shared>> -> memref<1000x128xf32, #tpu.memory_space<vmem_shared>>
        tpu.wait_dma2 semaphore(%run_scoped3A : memref<!tpu.dma_semaphore, #tpu.memory_space<semaphore_mem>>) src(%dma_wait3A_25 : memref<1000x128xf32, #tpu.memory_space<vmem_shared>>) dst(%dma_wait3A_23 : memref<1000x128xf32, #tpu.memory_space<hbm>>)
        tpu.yield
      }) : () -> ()
    } else {
    }
    return
  }
}

#map = affine_map<(d0, d1) -> (0, 0)>
#map1 = affine_map<(d0, d1) -> (0)>
module attributes {stable_mosaic.version = 14 : i64} {
  func.func @conv_k(%arg0: i32, %arg1: i32, %arg2: memref<20000x128xf32, #tpu.memory_space<hbm>>, %arg3: memref<323584xi32, #tpu.memory_space<hbm>>, %arg4: memref<323584xi32, #tpu.memory_space<hbm>>, %arg5: memref<632x128xf32, #tpu.memory_space<hbm>>, %arg6: memref<20000x128xf32, #tpu.memory_space<hbm>>, %arg7: memref<10112x128xf32, #tpu.memory_space<vmem_shared>>, %arg8: memref<1x128xi32, #tpu.memory_space<vmem>>, %arg9: memref<1x128xi32, #tpu.memory_space<vmem>>, %arg10: memref<128x128xf32, #tpu.memory_space<vmem>>, %arg11: memref<!tpu.dma_semaphore, #tpu.memory_space<semaphore_mem>>) attributes {dimension_semantics = [#tpu.dimension_semantics<core_parallel>, #tpu.dimension_semantics<subcore_parallel>], iteration_bounds = array<i64: 2, 16>, scalar_prefetch = 0 : i64, scratch_operands = 5 : i64, tpu.core_type = #tpu.core_type<sc_vector_subcore>, window_params = [{transform_indices = #map}, {transform_indices = #map1}, {transform_indices = #map1}, {transform_indices = #map}, {transform_indices = #map}]} {
    %mul3A = arith.constant 632 : i32
    %mul3A_0 = arith.muli %arg1, %mul3A : i32
    "tpu.region"() ({
      %run_scoped3A = tpu.sem_alloc : memref<!tpu.dma_semaphore, #tpu.memory_space<semaphore_mem>>
      %dma_start3A = arith.constant 0 : i32
      %dma_start3A_13 = tpu.memref_slice %arg7[%mul3A_0, %dma_start3A] : memref<10112x128xf32, #tpu.memory_space<vmem_shared>> -> memref<632x128xf32, #tpu.memory_space<vmem_shared>>
      tpu.enqueue_dma source(%arg5 : memref<632x128xf32, #tpu.memory_space<hbm>>) target(%dma_start3A_13 : memref<632x128xf32, #tpu.memory_space<vmem_shared>>) target_semaphore(%run_scoped3A : memref<!tpu.dma_semaphore, #tpu.memory_space<semaphore_mem>>)
      %dma_wait3A = arith.constant 0 : i32
      %dma_wait3A_14 = tpu.memref_slice %arg7[%mul3A_0, %dma_wait3A] : memref<10112x128xf32, #tpu.memory_space<vmem_shared>> -> memref<632x128xf32, #tpu.memory_space<vmem_shared>>
      tpu.wait_dma2 semaphore(%run_scoped3A : memref<!tpu.dma_semaphore, #tpu.memory_space<semaphore_mem>>) src(%arg5 : memref<632x128xf32, #tpu.memory_space<hbm>>) dst(%dma_wait3A_14 : memref<632x128xf32, #tpu.memory_space<vmem_shared>>)
      tpu.yield
    }) : () -> ()
    %barrier3A = arith.constant 0 : index
    tpu.barrier barrier_id(%barrier3A)
    %mul3A_1 = arith.constant 20224 : i32
    %mul3A_2 = arith.muli %arg1, %mul3A_1 : i32
    %mul3A_3 = arith.constant 10000 : i32
    %mul3A_4 = arith.muli %arg0, %mul3A_3 : i32
    %scan3A = arith.constant 0 : i32
    %scan3A_5 = arith.constant 0 : i32
    %scan3A_6 = arith.constant 158 : i32
    %scan3A_7 = arith.addi %scan3A_5, %scan3A_6 : i32
    %scan3A_8 = arith.constant 1 : i32
    scf.for %scan3A_13 = %scan3A_5 to %scan3A_7 step %scan3A_8  : i32 {
      %mul3A_14 = arith.constant 128 : i32
      %mul3A_15 = arith.muli %scan3A_13, %mul3A_14 : i32
      %add3A = arith.addi %mul3A_2, %mul3A_15 : i32
      %run_scoped3A = arith.constant 0 : i32
      "tpu.region"() ({
        %run_scoped3A_132 = tpu.sem_alloc : memref<!tpu.dma_semaphore, #tpu.memory_space<semaphore_mem>>
        %dma_start3A_133 = arith.constant 0 : i32
        %dma_start3A_134 = tpu.memref_slice %arg8[%run_scoped3A, %dma_start3A_133] : memref<1x128xi32, #tpu.memory_space<vmem>> -> memref<1x128xi32, #tpu.memory_space<vmem>>
        %dma_start3A_135 = tpu.memref_squeeze %dma_start3A_134 : memref<1x128xi32, #tpu.memory_space<vmem>> -> memref<128xi32, #tpu.memory_space<vmem>>
        %dma_start3A_136 = tpu.memref_slice %arg3[%add3A] : memref<323584xi32, #tpu.memory_space<hbm>> -> memref<128xi32, #tpu.memory_space<hbm>>
        %dma_start3A_137 = arith.constant 0 : i32
        %dma_start3A_138 = tpu.memref_slice %arg8[%run_scoped3A, %dma_start3A_137] : memref<1x128xi32, #tpu.memory_space<vmem>> -> memref<1x128xi32, #tpu.memory_space<vmem>>
        %dma_start3A_139 = tpu.memref_squeeze %dma_start3A_138 : memref<1x128xi32, #tpu.memory_space<vmem>> -> memref<128xi32, #tpu.memory_space<vmem>>
        %dma_start3A_140 = tpu.memref_slice %arg3[%add3A] : memref<323584xi32, #tpu.memory_space<hbm>> -> memref<128xi32, #tpu.memory_space<hbm>>
        tpu.enqueue_dma source(%dma_start3A_140 : memref<128xi32, #tpu.memory_space<hbm>>) target(%dma_start3A_139 : memref<128xi32, #tpu.memory_space<vmem>>) target_semaphore(%run_scoped3A_132 : memref<!tpu.dma_semaphore, #tpu.memory_space<semaphore_mem>>)
        %dma_wait3A_141 = arith.constant 0 : i32
        %dma_wait3A_142 = tpu.memref_slice %arg8[%run_scoped3A, %dma_wait3A_141] : memref<1x128xi32, #tpu.memory_space<vmem>> -> memref<1x128xi32, #tpu.memory_space<vmem>>
        %dma_wait3A_143 = tpu.memref_squeeze %dma_wait3A_142 : memref<1x128xi32, #tpu.memory_space<vmem>> -> memref<128xi32, #tpu.memory_space<vmem>>
        %dma_wait3A_144 = tpu.memref_slice %arg3[%add3A] : memref<323584xi32, #tpu.memory_space<hbm>> -> memref<128xi32, #tpu.memory_space<hbm>>
        %dma_wait3A_145 = arith.constant 0 : i32
        %dma_wait3A_146 = tpu.memref_slice %arg8[%run_scoped3A, %dma_wait3A_145] : memref<1x128xi32, #tpu.memory_space<vmem>> -> memref<1x128xi32, #tpu.memory_space<vmem>>
        %dma_wait3A_147 = tpu.memref_squeeze %dma_wait3A_146 : memref<1x128xi32, #tpu.memory_space<vmem>> -> memref<128xi32, #tpu.memory_space<vmem>>
        %dma_wait3A_148 = tpu.memref_slice %arg3[%add3A] : memref<323584xi32, #tpu.memory_space<hbm>> -> memref<128xi32, #tpu.memory_space<hbm>>
        tpu.wait_dma2 semaphore(%run_scoped3A_132 : memref<!tpu.dma_semaphore, #tpu.memory_space<semaphore_mem>>) src(%dma_wait3A_148 : memref<128xi32, #tpu.memory_space<hbm>>) dst(%dma_wait3A_147 : memref<128xi32, #tpu.memory_space<vmem>>)
        tpu.yield
      }) : () -> ()
      %run_scoped3A_16 = arith.constant 0 : i32
      "tpu.region"() ({
        %run_scoped3A_132 = tpu.sem_alloc : memref<!tpu.dma_semaphore, #tpu.memory_space<semaphore_mem>>
        %dma_start3A_133 = arith.constant 0 : i32
        %dma_start3A_134 = tpu.memref_slice %arg9[%run_scoped3A_16, %dma_start3A_133] : memref<1x128xi32, #tpu.memory_space<vmem>> -> memref<1x128xi32, #tpu.memory_space<vmem>>
        %dma_start3A_135 = tpu.memref_squeeze %dma_start3A_134 : memref<1x128xi32, #tpu.memory_space<vmem>> -> memref<128xi32, #tpu.memory_space<vmem>>
        %dma_start3A_136 = tpu.memref_slice %arg4[%add3A] : memref<323584xi32, #tpu.memory_space<hbm>> -> memref<128xi32, #tpu.memory_space<hbm>>
        %dma_start3A_137 = arith.constant 0 : i32
        %dma_start3A_138 = tpu.memref_slice %arg9[%run_scoped3A_16, %dma_start3A_137] : memref<1x128xi32, #tpu.memory_space<vmem>> -> memref<1x128xi32, #tpu.memory_space<vmem>>
        %dma_start3A_139 = tpu.memref_squeeze %dma_start3A_138 : memref<1x128xi32, #tpu.memory_space<vmem>> -> memref<128xi32, #tpu.memory_space<vmem>>
        %dma_start3A_140 = tpu.memref_slice %arg4[%add3A] : memref<323584xi32, #tpu.memory_space<hbm>> -> memref<128xi32, #tpu.memory_space<hbm>>
        tpu.enqueue_dma source(%dma_start3A_140 : memref<128xi32, #tpu.memory_space<hbm>>) target(%dma_start3A_139 : memref<128xi32, #tpu.memory_space<vmem>>) target_semaphore(%run_scoped3A_132 : memref<!tpu.dma_semaphore, #tpu.memory_space<semaphore_mem>>)
        %dma_wait3A_141 = arith.constant 0 : i32
        %dma_wait3A_142 = tpu.memref_slice %arg9[%run_scoped3A_16, %dma_wait3A_141] : memref<1x128xi32, #tpu.memory_space<vmem>> -> memref<1x128xi32, #tpu.memory_space<vmem>>
        %dma_wait3A_143 = tpu.memref_squeeze %dma_wait3A_142 : memref<1x128xi32, #tpu.memory_space<vmem>> -> memref<128xi32, #tpu.memory_space<vmem>>
        %dma_wait3A_144 = tpu.memref_slice %arg4[%add3A] : memref<323584xi32, #tpu.memory_space<hbm>> -> memref<128xi32, #tpu.memory_space<hbm>>
        %dma_wait3A_145 = arith.constant 0 : i32
        %dma_wait3A_146 = tpu.memref_slice %arg9[%run_scoped3A_16, %dma_wait3A_145] : memref<1x128xi32, #tpu.memory_space<vmem>> -> memref<1x128xi32, #tpu.memory_space<vmem>>
        %dma_wait3A_147 = tpu.memref_squeeze %dma_wait3A_146 : memref<1x128xi32, #tpu.memory_space<vmem>> -> memref<128xi32, #tpu.memory_space<vmem>>
        %dma_wait3A_148 = tpu.memref_slice %arg4[%add3A] : memref<323584xi32, #tpu.memory_space<hbm>> -> memref<128xi32, #tpu.memory_space<hbm>>
        tpu.wait_dma2 semaphore(%run_scoped3A_132 : memref<!tpu.dma_semaphore, #tpu.memory_space<semaphore_mem>>) src(%dma_wait3A_148 : memref<128xi32, #tpu.memory_space<hbm>>) dst(%dma_wait3A_147 : memref<128xi32, #tpu.memory_space<vmem>>)
        tpu.yield
      }) : () -> ()
      %get3A = arith.constant 0 : i32
      %get3A_17 = arith.index_cast %get3A : i32 to index
      %get3A_18 = arith.constant 0 : index
      %get3A_19 = tpu.vector_load %arg8[%get3A_17, %get3A_18] {strides = array<i32>} : memref<1x128xi32, #tpu.memory_space<vmem>>, vector<1x16xi32>,
      %get3A_20 = vector.shape_cast %get3A_19 : vector<1x16xi32> to vector<16xi32>
      %add3A_21 = vector.broadcast %mul3A_4 : i32 to vector<16xi32>
      %add3A_22 = arith.addi %get3A_20, %add3A_21 : vector<16xi32>
      %swap3A = arith.constant 0 : i32
      %swap3A_23 = arith.index_cast %swap3A : i32 to index
      %swap3A_24 = arith.constant 0 : index
      %swap3A_25 = tpu.vector_load %arg8[%swap3A_23, %swap3A_24] {strides = array<i32>} : memref<1x128xi32, #tpu.memory_space<vmem>>, vector<1x16xi32>,
      %swap3A_26 = vector.shape_cast %swap3A_25 : vector<1x16xi32> to vector<16xi32>
      %swap3A_27 = vector.shape_cast %add3A_22 : vector<16xi32> to vector<1x16xi32>
      tpu.vector_store %arg8[%swap3A_23, %swap3A_24], %swap3A_27 {strides = array<i32>} : memref<1x128xi32, #tpu.memory_space<vmem>>, vector<1x16xi32>,
      %get3A_28 = arith.constant 0 : i32
      %get3A_29 = arith.index_cast %get3A_28 : i32 to index
      %get3A_30 = arith.constant 16 : index
      %get3A_31 = tpu.vector_load %arg8[%get3A_29, %get3A_30] {strides = array<i32>} : memref<1x128xi32, #tpu.memory_space<vmem>>, vector<1x16xi32>,
      %get3A_32 = vector.shape_cast %get3A_31 : vector<1x16xi32> to vector<16xi32>
      %add3A_33 = vector.broadcast %mul3A_4 : i32 to vector<16xi32>
      %add3A_34 = arith.addi %get3A_32, %add3A_33 : vector<16xi32>
      %swap3A_35 = arith.constant 0 : i32
      %swap3A_36 = arith.index_cast %swap3A_35 : i32 to index
      %swap3A_37 = arith.constant 16 : index
      %swap3A_38 = tpu.vector_load %arg8[%swap3A_36, %swap3A_37] {strides = array<i32>} : memref<1x128xi32, #tpu.memory_space<vmem>>, vector<1x16xi32>,
      %swap3A_39 = vector.shape_cast %swap3A_38 : vector<1x16xi32> to vector<16xi32>
      %swap3A_40 = vector.shape_cast %add3A_34 : vector<16xi32> to vector<1x16xi32>
      tpu.vector_store %arg8[%swap3A_36, %swap3A_37], %swap3A_40 {strides = array<i32>} : memref<1x128xi32, #tpu.memory_space<vmem>>, vector<1x16xi32>,
      %get3A_41 = arith.constant 0 : i32
      %get3A_42 = arith.index_cast %get3A_41 : i32 to index
      %get3A_43 = arith.constant 32 : index
      %get3A_44 = tpu.vector_load %arg8[%get3A_42, %get3A_43] {strides = array<i32>} : memref<1x128xi32, #tpu.memory_space<vmem>>, vector<1x16xi32>,
      %get3A_45 = vector.shape_cast %get3A_44 : vector<1x16xi32> to vector<16xi32>
      %add3A_46 = vector.broadcast %mul3A_4 : i32 to vector<16xi32>
      %add3A_47 = arith.addi %get3A_45, %add3A_46 : vector<16xi32>
      %swap3A_48 = arith.constant 0 : i32
      %swap3A_49 = arith.index_cast %swap3A_48 : i32 to index
      %swap3A_50 = arith.constant 32 : index
      %swap3A_51 = tpu.vector_load %arg8[%swap3A_49, %swap3A_50] {strides = array<i32>} : memref<1x128xi32, #tpu.memory_space<vmem>>, vector<1x16xi32>,
      %swap3A_52 = vector.shape_cast %swap3A_51 : vector<1x16xi32> to vector<16xi32>
      %swap3A_53 = vector.shape_cast %add3A_47 : vector<16xi32> to vector<1x16xi32>
      tpu.vector_store %arg8[%swap3A_49, %swap3A_50], %swap3A_53 {strides = array<i32>} : memref<1x128xi32, #tpu.memory_space<vmem>>, vector<1x16xi32>,
      %get3A_54 = arith.constant 0 : i32
      %get3A_55 = arith.index_cast %get3A_54 : i32 to index
      %get3A_56 = arith.constant 48 : index
      %get3A_57 = tpu.vector_load %arg8[%get3A_55, %get3A_56] {strides = array<i32>} : memref<1x128xi32, #tpu.memory_space<vmem>>, vector<1x16xi32>,
      %get3A_58 = vector.shape_cast %get3A_57 : vector<1x16xi32> to vector<16xi32>
      %add3A_59 = vector.broadcast %mul3A_4 : i32 to vector<16xi32>
      %add3A_60 = arith.addi %get3A_58, %add3A_59 : vector<16xi32>
      %swap3A_61 = arith.constant 0 : i32
      %swap3A_62 = arith.index_cast %swap3A_61 : i32 to index
      %swap3A_63 = arith.constant 48 : index
      %swap3A_64 = tpu.vector_load %arg8[%swap3A_62, %swap3A_63] {strides = array<i32>} : memref<1x128xi32, #tpu.memory_space<vmem>>, vector<1x16xi32>,
      %swap3A_65 = vector.shape_cast %swap3A_64 : vector<1x16xi32> to vector<16xi32>
      %swap3A_66 = vector.shape_cast %add3A_60 : vector<16xi32> to vector<1x16xi32>
      tpu.vector_store %arg8[%swap3A_62, %swap3A_63], %swap3A_66 {strides = array<i32>} : memref<1x128xi32, #tpu.memory_space<vmem>>, vector<1x16xi32>,
      %get3A_67 = arith.constant 0 : i32
      %get3A_68 = arith.index_cast %get3A_67 : i32 to index
      %get3A_69 = arith.constant 64 : index
      %get3A_70 = tpu.vector_load %arg8[%get3A_68, %get3A_69] {strides = array<i32>} : memref<1x128xi32, #tpu.memory_space<vmem>>, vector<1x16xi32>,
      %get3A_71 = vector.shape_cast %get3A_70 : vector<1x16xi32> to vector<16xi32>
      %add3A_72 = vector.broadcast %mul3A_4 : i32 to vector<16xi32>
      %add3A_73 = arith.addi %get3A_71, %add3A_72 : vector<16xi32>
      %swap3A_74 = arith.constant 0 : i32
      %swap3A_75 = arith.index_cast %swap3A_74 : i32 to index
      %swap3A_76 = arith.constant 64 : index
      %swap3A_77 = tpu.vector_load %arg8[%swap3A_75, %swap3A_76] {strides = array<i32>} : memref<1x128xi32, #tpu.memory_space<vmem>>, vector<1x16xi32>,
      %swap3A_78 = vector.shape_cast %swap3A_77 : vector<1x16xi32> to vector<16xi32>
      %swap3A_79 = vector.shape_cast %add3A_73 : vector<16xi32> to vector<1x16xi32>
      tpu.vector_store %arg8[%swap3A_75, %swap3A_76], %swap3A_79 {strides = array<i32>} : memref<1x128xi32, #tpu.memory_space<vmem>>, vector<1x16xi32>,
      %get3A_80 = arith.constant 0 : i32
      %get3A_81 = arith.index_cast %get3A_80 : i32 to index
      %get3A_82 = arith.constant 80 : index
      %get3A_83 = tpu.vector_load %arg8[%get3A_81, %get3A_82] {strides = array<i32>} : memref<1x128xi32, #tpu.memory_space<vmem>>, vector<1x16xi32>,
      %get3A_84 = vector.shape_cast %get3A_83 : vector<1x16xi32> to vector<16xi32>
      %add3A_85 = vector.broadcast %mul3A_4 : i32 to vector<16xi32>
      %add3A_86 = arith.addi %get3A_84, %add3A_85 : vector<16xi32>
      %swap3A_87 = arith.constant 0 : i32
      %swap3A_88 = arith.index_cast %swap3A_87 : i32 to index
      %swap3A_89 = arith.constant 80 : index
      %swap3A_90 = tpu.vector_load %arg8[%swap3A_88, %swap3A_89] {strides = array<i32>} : memref<1x128xi32, #tpu.memory_space<vmem>>, vector<1x16xi32>,
      %swap3A_91 = vector.shape_cast %swap3A_90 : vector<1x16xi32> to vector<16xi32>
      %swap3A_92 = vector.shape_cast %add3A_86 : vector<16xi32> to vector<1x16xi32>
      tpu.vector_store %arg8[%swap3A_88, %swap3A_89], %swap3A_92 {strides = array<i32>} : memref<1x128xi32, #tpu.memory_space<vmem>>, vector<1x16xi32>,
      %get3A_93 = arith.constant 0 : i32
      %get3A_94 = arith.index_cast %get3A_93 : i32 to index
      %get3A_95 = arith.constant 96 : index
      %get3A_96 = tpu.vector_load %arg8[%get3A_94, %get3A_95] {strides = array<i32>} : memref<1x128xi32, #tpu.memory_space<vmem>>, vector<1x16xi32>,
      %get3A_97 = vector.shape_cast %get3A_96 : vector<1x16xi32> to vector<16xi32>
      %add3A_98 = vector.broadcast %mul3A_4 : i32 to vector<16xi32>
      %add3A_99 = arith.addi %get3A_97, %add3A_98 : vector<16xi32>
      %swap3A_100 = arith.constant 0 : i32
      %swap3A_101 = arith.index_cast %swap3A_100 : i32 to index
      %swap3A_102 = arith.constant 96 : index
      %swap3A_103 = tpu.vector_load %arg8[%swap3A_101, %swap3A_102] {strides = array<i32>} : memref<1x128xi32, #tpu.memory_space<vmem>>, vector<1x16xi32>,
      %swap3A_104 = vector.shape_cast %swap3A_103 : vector<1x16xi32> to vector<16xi32>
      %swap3A_105 = vector.shape_cast %add3A_99 : vector<16xi32> to vector<1x16xi32>
      tpu.vector_store %arg8[%swap3A_101, %swap3A_102], %swap3A_105 {strides = array<i32>} : memref<1x128xi32, #tpu.memory_space<vmem>>, vector<1x16xi32>,
      %get3A_106 = arith.constant 0 : i32
      %get3A_107 = arith.index_cast %get3A_106 : i32 to index
      %get3A_108 = arith.constant 112 : index
      %get3A_109 = tpu.vector_load %arg8[%get3A_107, %get3A_108] {strides = array<i32>} : memref<1x128xi32, #tpu.memory_space<vmem>>, vector<1x16xi32>,
      %get3A_110 = vector.shape_cast %get3A_109 : vector<1x16xi32> to vector<16xi32>
      %add3A_111 = vector.broadcast %mul3A_4 : i32 to vector<16xi32>
      %add3A_112 = arith.addi %get3A_110, %add3A_111 : vector<16xi32>
      %swap3A_113 = arith.constant 0 : i32
      %swap3A_114 = arith.index_cast %swap3A_113 : i32 to index
      %swap3A_115 = arith.constant 112 : index
      %swap3A_116 = tpu.vector_load %arg8[%swap3A_114, %swap3A_115] {strides = array<i32>} : memref<1x128xi32, #tpu.memory_space<vmem>>, vector<1x16xi32>,
      %swap3A_117 = vector.shape_cast %swap3A_116 : vector<1x16xi32> to vector<16xi32>
      %swap3A_118 = vector.shape_cast %add3A_112 : vector<16xi32> to vector<1x16xi32>
      tpu.vector_store %arg8[%swap3A_114, %swap3A_115], %swap3A_118 {strides = array<i32>} : memref<1x128xi32, #tpu.memory_space<vmem>>, vector<1x16xi32>,
      %dma_start3A = arith.constant 0 : i32
      %dma_start3A_119 = arith.constant 0 : i32
      %dma_start3A_120 = tpu.memref_slice %arg8[%dma_start3A, %dma_start3A_119] : memref<1x128xi32, #tpu.memory_space<vmem>> -> memref<1x128xi32, #tpu.memory_space<vmem>>
      %dma_start3A_121 = tpu.memref_squeeze %dma_start3A_120 : memref<1x128xi32, #tpu.memory_space<vmem>> -> memref<128xi32, #tpu.memory_space<vmem>>
      %dma_start3A_122 = arith.constant 0 : i32
      %dma_start3A_123 = arith.constant 0 : i32
      %dma_start3A_124 = tpu.memref_slice %arg2[%dma_start3A_122, %dma_start3A_123] : memref<20000x128xf32, #tpu.memory_space<hbm>> -> memref<20000x128xf32, #tpu.memory_space<hbm>>
      tpu.enqueue_indirect_dma source(%dma_start3A_124 : memref<20000x128xf32, #tpu.memory_space<hbm>>) target(%arg10 : memref<128x128xf32, #tpu.memory_space<vmem>>) offsets(%dma_start3A_121 : memref<128xi32, #tpu.memory_space<vmem>>) semaphore(%arg11 : memref<!tpu.dma_semaphore, #tpu.memory_space<semaphore_mem>>)
      %dma_wait3A = arith.constant 0 : i32
      %dma_wait3A_125 = arith.constant 0 : i32
      %dma_wait3A_126 = tpu.memref_slice %arg8[%dma_wait3A, %dma_wait3A_125] : memref<1x128xi32, #tpu.memory_space<vmem>> -> memref<1x128xi32, #tpu.memory_space<vmem>>
      %dma_wait3A_127 = tpu.memref_squeeze %dma_wait3A_126 : memref<1x128xi32, #tpu.memory_space<vmem>> -> memref<128xi32, #tpu.memory_space<vmem>>
      %dma_wait3A_128 = arith.constant 0 : i32
      %dma_wait3A_129 = arith.constant 0 : i32
      %dma_wait3A_130 = tpu.memref_slice %arg2[%dma_wait3A_128, %dma_wait3A_129] : memref<20000x128xf32, #tpu.memory_space<hbm>> -> memref<20000x128xf32, #tpu.memory_space<hbm>>
      tpu.wait_indirect_dma semaphore(%arg11 : memref<!tpu.dma_semaphore, #tpu.memory_space<semaphore_mem>>) src(%dma_wait3A_130 : memref<20000x128xf32, #tpu.memory_space<hbm>>) dst(%arg10 : memref<128x128xf32, #tpu.memory_space<vmem>>)
      %run_scoped3A_131 = arith.constant 0 : i32
      "tpu.region"() ({
        %run_scoped3A_132 = tpu.sem_alloc : memref<!tpu.dma_semaphore, #tpu.memory_space<semaphore_mem>>
        %dma_start3A_133 = arith.constant 0 : i32
        %dma_start3A_134 = tpu.memref_slice %arg9[%run_scoped3A_131, %dma_start3A_133] : memref<1x128xi32, #tpu.memory_space<vmem>> -> memref<1x128xi32, #tpu.memory_space<vmem>>
        %dma_start3A_135 = tpu.memref_squeeze %dma_start3A_134 : memref<1x128xi32, #tpu.memory_space<vmem>> -> memref<128xi32, #tpu.memory_space<vmem>>
        %dma_start3A_136 = arith.constant 0 : i32
        %dma_start3A_137 = arith.constant 0 : i32
        %dma_start3A_138 = tpu.memref_slice %arg7[%dma_start3A_136, %dma_start3A_137] : memref<10112x128xf32, #tpu.memory_space<vmem_shared>> -> memref<10112x128xf32, #tpu.memory_space<vmem_shared>>
        tpu.enqueue_indirect_dma source(%arg10 : memref<128x128xf32, #tpu.memory_space<vmem>>) target(%dma_start3A_138 : memref<10112x128xf32, #tpu.memory_space<vmem_shared>>) offsets(%dma_start3A_135 : memref<128xi32, #tpu.memory_space<vmem>>) semaphore(%run_scoped3A_132 : memref<!tpu.dma_semaphore, #tpu.memory_space<semaphore_mem>>) {add = true}
        %dma_wait3A_139 = arith.constant 0 : i32
        %dma_wait3A_140 = tpu.memref_slice %arg9[%run_scoped3A_131, %dma_wait3A_139] : memref<1x128xi32, #tpu.memory_space<vmem>> -> memref<1x128xi32, #tpu.memory_space<vmem>>
        %dma_wait3A_141 = tpu.memref_squeeze %dma_wait3A_140 : memref<1x128xi32, #tpu.memory_space<vmem>> -> memref<128xi32, #tpu.memory_space<vmem>>
        %dma_wait3A_142 = arith.constant 0 : i32
        %dma_wait3A_143 = arith.constant 0 : i32
        %dma_wait3A_144 = tpu.memref_slice %arg7[%dma_wait3A_142, %dma_wait3A_143] : memref<10112x128xf32, #tpu.memory_space<vmem_shared>> -> memref<10112x128xf32, #tpu.memory_space<vmem_shared>>
        tpu.wait_indirect_dma semaphore(%run_scoped3A_132 : memref<!tpu.dma_semaphore, #tpu.memory_space<semaphore_mem>>) src(%arg10 : memref<128x128xf32, #tpu.memory_space<vmem>>) dst(%dma_wait3A_144 : memref<10112x128xf32, #tpu.memory_space<vmem_shared>>)
        tpu.yield
      }) : () -> ()
    }
    %scan3A_9 = arith.constant 158 : i32
    %barrier3A_10 = arith.constant 0 : index
    tpu.barrier barrier_id(%barrier3A_10)
    %lt3A = arith.constant 10 : i32
    %lt3A_11 = arith.cmpi slt, %arg1, %lt3A : i32
    %convert_element_type3A = arith.extui %lt3A_11 : i1 to i32
    %cond3A = arith.constant 0 : i32
    %cond3A_12 = arith.cmpi ne, %convert_element_type3A, %cond3A : i32
    scf.if %cond3A_12 {
      %mul3A_13 = arith.constant 1000 : i32
      %mul3A_14 = arith.muli %arg1, %mul3A_13 : i32
      %mul3A_15 = arith.constant 10000 : i32
      %mul3A_16 = arith.muli %arg0, %mul3A_15 : i32
      %mul3A_17 = arith.constant 1000 : i32
      %mul3A_18 = arith.muli %arg1, %mul3A_17 : i32
      %add3A = arith.addi %mul3A_16, %mul3A_18 : i32
      "tpu.region"() ({
        %run_scoped3A = tpu.sem_alloc : memref<!tpu.dma_semaphore, #tpu.memory_space<semaphore_mem>>
        %dma_start3A = arith.constant 0 : i32
        %dma_start3A_19 = tpu.memref_slice %arg6[%add3A, %dma_start3A] : memref<20000x128xf32, #tpu.memory_space<hbm>> -> memref<1000x128xf32, #tpu.memory_space<hbm>>
        %dma_start3A_20 = arith.constant 0 : i32
        %dma_start3A_21 = tpu.memref_slice %arg7[%mul3A_14, %dma_start3A_20] : memref<10112x128xf32, #tpu.memory_space<vmem_shared>> -> memref<1000x128xf32, #tpu.memory_space<vmem_shared>>
        tpu.enqueue_dma source(%dma_start3A_21 : memref<1000x128xf32, #tpu.memory_space<vmem_shared>>) target(%dma_start3A_19 : memref<1000x128xf32, #tpu.memory_space<hbm>>) target_semaphore(%run_scoped3A : memref<!tpu.dma_semaphore, #tpu.memory_space<semaphore_mem>>)
        %dma_wait3A = arith.constant 0 : i32
        %dma_wait3A_22 = tpu.memref_slice %arg6[%add3A, %dma_wait3A] : memref<20000x128xf32, #tpu.memory_space<hbm>> -> memref<1000x128xf32, #tpu.memory_space<hbm>>
        %dma_wait3A_23 = arith.constant 0 : i32
        %dma_wait3A_24 = tpu.memref_slice %arg7[%mul3A_14, %dma_wait3A_23] : memref<10112x128xf32, #tpu.memory_space<vmem_shared>> -> memref<1000x128xf32, #tpu.memory_space<vmem_shared>>
        tpu.wait_dma2 semaphore(%run_scoped3A : memref<!tpu.dma_semaphore, #tpu.memory_space<semaphore_mem>>) src(%dma_wait3A_24 : memref<1000x128xf32, #tpu.memory_space<vmem_shared>>) dst(%dma_wait3A_22 : memref<1000x128xf32, #tpu.memory_space<hbm>>)
        tpu.yield
      }) : () -> ()
    } else {
    }
    return
  }
}

#map = affine_map<(d0, d1) -> (0)>
#map1 = affine_map<(d0, d1) -> (0, 0)>
module attributes {stable_mosaic.version = 14 : i64} {
  func.func @deg_k(%arg0: i32, %arg1: i32, %arg2: memref<323584xi32, #tpu.memory_space<hbm>>, %arg3: memref<128x128xf32, #tpu.memory_space<hbm>>, %arg4: memref<632x128xf32, #tpu.memory_space<hbm>>, %arg5: memref<20000x128xf32, #tpu.memory_space<hbm>>, %arg6: memref<10112x128xf32, #tpu.memory_space<vmem_shared>>, %arg7: memref<128x128xf32, #tpu.memory_space<vmem>>, %arg8: memref<1x128xi32, #tpu.memory_space<vmem>>) attributes {dimension_semantics = [#tpu.dimension_semantics<core_parallel>, #tpu.dimension_semantics<subcore_parallel>], iteration_bounds = array<i64: 2, 16>, scalar_prefetch = 0 : i64, scratch_operands = 3 : i64, tpu.core_type = #tpu.core_type<sc_vector_subcore>, window_params = [{transform_indices = #map}, {transform_indices = #map1}, {transform_indices = #map1}, {transform_indices = #map1}]} {
    %mul3A = arith.constant 2 : i32
    %mul3A_0 = arith.muli %arg1, %mul3A : i32
    %add3A = arith.addi %mul3A_0, %arg0 : i32
    %mul3A_1 = arith.constant 632 : i32
    %mul3A_2 = arith.muli %arg1, %mul3A_1 : i32
    "tpu.region"() ({
      %run_scoped3A = tpu.sem_alloc : memref<!tpu.dma_semaphore, #tpu.memory_space<semaphore_mem>>
      %dma_start3A = arith.constant 0 : i32
      %dma_start3A_13 = tpu.memref_slice %arg6[%mul3A_2, %dma_start3A] : memref<10112x128xf32, #tpu.memory_space<vmem_shared>> -> memref<632x128xf32, #tpu.memory_space<vmem_shared>>
      tpu.enqueue_dma source(%arg4 : memref<632x128xf32, #tpu.memory_space<hbm>>) target(%dma_start3A_13 : memref<632x128xf32, #tpu.memory_space<vmem_shared>>) target_semaphore(%run_scoped3A : memref<!tpu.dma_semaphore, #tpu.memory_space<semaphore_mem>>)
      %dma_wait3A = arith.constant 0 : i32
      %dma_wait3A_14 = tpu.memref_slice %arg6[%mul3A_2, %dma_wait3A] : memref<10112x128xf32, #tpu.memory_space<vmem_shared>> -> memref<632x128xf32, #tpu.memory_space<vmem_shared>>
      tpu.wait_dma2 semaphore(%run_scoped3A : memref<!tpu.dma_semaphore, #tpu.memory_space<semaphore_mem>>) src(%arg4 : memref<632x128xf32, #tpu.memory_space<hbm>>) dst(%dma_wait3A_14 : memref<632x128xf32, #tpu.memory_space<vmem_shared>>)
      tpu.yield
    }) : () -> ()
    "tpu.region"() ({
      %run_scoped3A = tpu.sem_alloc : memref<!tpu.dma_semaphore, #tpu.memory_space<semaphore_mem>>
      tpu.enqueue_dma source(%arg3 : memref<128x128xf32, #tpu.memory_space<hbm>>) target(%arg7 : memref<128x128xf32, #tpu.memory_space<vmem>>) target_semaphore(%run_scoped3A : memref<!tpu.dma_semaphore, #tpu.memory_space<semaphore_mem>>)
      tpu.wait_dma2 semaphore(%run_scoped3A : memref<!tpu.dma_semaphore, #tpu.memory_space<semaphore_mem>>) src(%arg3 : memref<128x128xf32, #tpu.memory_space<hbm>>) dst(%arg7 : memref<128x128xf32, #tpu.memory_space<vmem>>)
      tpu.yield
    }) : () -> ()
    %barrier3A = arith.constant 0 : index
    tpu.barrier barrier_id(%barrier3A)
    %mul3A_3 = arith.constant 10112 : i32
    %mul3A_4 = arith.muli %add3A, %mul3A_3 : i32
    %scan3A = arith.constant 0 : i32
    %scan3A_5 = arith.constant 0 : i32
    %scan3A_6 = arith.constant 79 : i32
    %scan3A_7 = arith.addi %scan3A_5, %scan3A_6 : i32
    %scan3A_8 = arith.constant 1 : i32
    scf.for %scan3A_13 = %scan3A_5 to %scan3A_7 step %scan3A_8  : i32 {
      %mul3A_14 = arith.constant 128 : i32
      %mul3A_15 = arith.muli %scan3A_13, %mul3A_14 : i32
      %add3A_16 = arith.addi %mul3A_4, %mul3A_15 : i32
      %run_scoped3A = arith.constant 0 : i32
      "tpu.region"() ({
        %run_scoped3A_18 = tpu.sem_alloc : memref<!tpu.dma_semaphore, #tpu.memory_space<semaphore_mem>>
        %dma_start3A = arith.constant 0 : i32
        %dma_start3A_19 = tpu.memref_slice %arg8[%run_scoped3A, %dma_start3A] : memref<1x128xi32, #tpu.memory_space<vmem>> -> memref<1x128xi32, #tpu.memory_space<vmem>>
        %dma_start3A_20 = tpu.memref_squeeze %dma_start3A_19 : memref<1x128xi32, #tpu.memory_space<vmem>> -> memref<128xi32, #tpu.memory_space<vmem>>
        %dma_start3A_21 = tpu.memref_slice %arg2[%add3A_16] : memref<323584xi32, #tpu.memory_space<hbm>> -> memref<128xi32, #tpu.memory_space<hbm>>
        %dma_start3A_22 = arith.constant 0 : i32
        %dma_start3A_23 = tpu.memref_slice %arg8[%run_scoped3A, %dma_start3A_22] : memref<1x128xi32, #tpu.memory_space<vmem>> -> memref<1x128xi32, #tpu.memory_space<vmem>>
        %dma_start3A_24 = tpu.memref_squeeze %dma_start3A_23 : memref<1x128xi32, #tpu.memory_space<vmem>> -> memref<128xi32, #tpu.memory_space<vmem>>
        %dma_start3A_25 = tpu.memref_slice %arg2[%add3A_16] : memref<323584xi32, #tpu.memory_space<hbm>> -> memref<128xi32, #tpu.memory_space<hbm>>
        tpu.enqueue_dma source(%dma_start3A_25 : memref<128xi32, #tpu.memory_space<hbm>>) target(%dma_start3A_24 : memref<128xi32, #tpu.memory_space<vmem>>) target_semaphore(%run_scoped3A_18 : memref<!tpu.dma_semaphore, #tpu.memory_space<semaphore_mem>>)
        %dma_wait3A = arith.constant 0 : i32
        %dma_wait3A_26 = tpu.memref_slice %arg8[%run_scoped3A, %dma_wait3A] : memref<1x128xi32, #tpu.memory_space<vmem>> -> memref<1x128xi32, #tpu.memory_space<vmem>>
        %dma_wait3A_27 = tpu.memref_squeeze %dma_wait3A_26 : memref<1x128xi32, #tpu.memory_space<vmem>> -> memref<128xi32, #tpu.memory_space<vmem>>
        %dma_wait3A_28 = tpu.memref_slice %arg2[%add3A_16] : memref<323584xi32, #tpu.memory_space<hbm>> -> memref<128xi32, #tpu.memory_space<hbm>>
        %dma_wait3A_29 = arith.constant 0 : i32
        %dma_wait3A_30 = tpu.memref_slice %arg8[%run_scoped3A, %dma_wait3A_29] : memref<1x128xi32, #tpu.memory_space<vmem>> -> memref<1x128xi32, #tpu.memory_space<vmem>>
        %dma_wait3A_31 = tpu.memref_squeeze %dma_wait3A_30 : memref<1x128xi32, #tpu.memory_space<vmem>> -> memref<128xi32, #tpu.memory_space<vmem>>
        %dma_wait3A_32 = tpu.memref_slice %arg2[%add3A_16] : memref<323584xi32, #tpu.memory_space<hbm>> -> memref<128xi32, #tpu.memory_space<hbm>>
        tpu.wait_dma2 semaphore(%run_scoped3A_18 : memref<!tpu.dma_semaphore, #tpu.memory_space<semaphore_mem>>) src(%dma_wait3A_32 : memref<128xi32, #tpu.memory_space<hbm>>) dst(%dma_wait3A_31 : memref<128xi32, #tpu.memory_space<vmem>>)
        tpu.yield
      }) : () -> ()
      %run_scoped3A_17 = arith.constant 0 : i32
      "tpu.region"() ({
        %run_scoped3A_18 = tpu.sem_alloc : memref<!tpu.dma_semaphore, #tpu.memory_space<semaphore_mem>>
        %dma_start3A = arith.constant 0 : i32
        %dma_start3A_19 = tpu.memref_slice %arg8[%run_scoped3A_17, %dma_start3A] : memref<1x128xi32, #tpu.memory_space<vmem>> -> memref<1x128xi32, #tpu.memory_space<vmem>>
        %dma_start3A_20 = tpu.memref_squeeze %dma_start3A_19 : memref<1x128xi32, #tpu.memory_space<vmem>> -> memref<128xi32, #tpu.memory_space<vmem>>
        %dma_start3A_21 = arith.constant 0 : i32
        %dma_start3A_22 = arith.constant 0 : i32
        %dma_start3A_23 = tpu.memref_slice %arg6[%dma_start3A_21, %dma_start3A_22] : memref<10112x128xf32, #tpu.memory_space<vmem_shared>> -> memref<10112x128xf32, #tpu.memory_space<vmem_shared>>
        tpu.enqueue_indirect_dma source(%arg7 : memref<128x128xf32, #tpu.memory_space<vmem>>) target(%dma_start3A_23 : memref<10112x128xf32, #tpu.memory_space<vmem_shared>>) offsets(%dma_start3A_20 : memref<128xi32, #tpu.memory_space<vmem>>) semaphore(%run_scoped3A_18 : memref<!tpu.dma_semaphore, #tpu.memory_space<semaphore_mem>>) {add = true}
        %dma_wait3A = arith.constant 0 : i32
        %dma_wait3A_24 = tpu.memref_slice %arg8[%run_scoped3A_17, %dma_wait3A] : memref<1x128xi32, #tpu.memory_space<vmem>> -> memref<1x128xi32, #tpu.memory_space<vmem>>
        %dma_wait3A_25 = tpu.memref_squeeze %dma_wait3A_24 : memref<1x128xi32, #tpu.memory_space<vmem>> -> memref<128xi32, #tpu.memory_space<vmem>>
        %dma_wait3A_26 = arith.constant 0 : i32
        %dma_wait3A_27 = arith.constant 0 : i32
        %dma_wait3A_28 = tpu.memref_slice %arg6[%dma_wait3A_26, %dma_wait3A_27] : memref<10112x128xf32, #tpu.memory_space<vmem_shared>> -> memref<10112x128xf32, #tpu.memory_space<vmem_shared>>
        tpu.wait_indirect_dma semaphore(%run_scoped3A_18 : memref<!tpu.dma_semaphore, #tpu.memory_space<semaphore_mem>>) src(%arg7 : memref<128x128xf32, #tpu.memory_space<vmem>>) dst(%dma_wait3A_28 : memref<10112x128xf32, #tpu.memory_space<vmem_shared>>)
        tpu.yield
      }) : () -> ()
    }
    %scan3A_9 = arith.constant 79 : i32
    %barrier3A_10 = arith.constant 0 : index
    tpu.barrier barrier_id(%barrier3A_10)
    %lt3A = arith.constant 10 : i32
    %lt3A_11 = arith.cmpi slt, %arg1, %lt3A : i32
    %convert_element_type3A = arith.extui %lt3A_11 : i1 to i32
    %cond3A = arith.constant 0 : i32
    %cond3A_12 = arith.cmpi ne, %convert_element_type3A, %cond3A : i32
    scf.if %cond3A_12 {
      %mul3A_13 = arith.constant 1000 : i32
      %mul3A_14 = arith.muli %arg1, %mul3A_13 : i32
      %mul3A_15 = arith.constant 10000 : i32
      %mul3A_16 = arith.muli %arg0, %mul3A_15 : i32
      %mul3A_17 = arith.constant 1000 : i32
      %mul3A_18 = arith.muli %arg1, %mul3A_17 : i32
      %add3A_19 = arith.addi %mul3A_16, %mul3A_18 : i32
      "tpu.region"() ({
        %run_scoped3A = tpu.sem_alloc : memref<!tpu.dma_semaphore, #tpu.memory_space<semaphore_mem>>
        %dma_start3A = arith.constant 0 : i32
        %dma_start3A_20 = tpu.memref_slice %arg5[%add3A_19, %dma_start3A] : memref<20000x128xf32, #tpu.memory_space<hbm>> -> memref<1000x128xf32, #tpu.memory_space<hbm>>
        %dma_start3A_21 = arith.constant 0 : i32
        %dma_start3A_22 = tpu.memref_slice %arg6[%mul3A_14, %dma_start3A_21] : memref<10112x128xf32, #tpu.memory_space<vmem_shared>> -> memref<1000x128xf32, #tpu.memory_space<vmem_shared>>
        tpu.enqueue_dma source(%dma_start3A_22 : memref<1000x128xf32, #tpu.memory_space<vmem_shared>>) target(%dma_start3A_20 : memref<1000x128xf32, #tpu.memory_space<hbm>>) target_semaphore(%run_scoped3A : memref<!tpu.dma_semaphore, #tpu.memory_space<semaphore_mem>>)
        %dma_wait3A = arith.constant 0 : i32
        %dma_wait3A_23 = tpu.memref_slice %arg5[%add3A_19, %dma_wait3A] : memref<20000x128xf32, #tpu.memory_space<hbm>> -> memref<1000x128xf32, #tpu.memory_space<hbm>>
        %dma_wait3A_24 = arith.constant 0 : i32
        %dma_wait3A_25 = tpu.memref_slice %arg6[%mul3A_14, %dma_wait3A_24] : memref<10112x128xf32, #tpu.memory_space<vmem_shared>> -> memref<1000x128xf32, #tpu.memory_space<vmem_shared>>
        tpu.wait_dma2 semaphore(%run_scoped3A : memref<!tpu.dma_semaphore, #tpu.memory_space<semaphore_mem>>) src(%dma_wait3A_25 : memref<1000x128xf32, #tpu.memory_space<vmem_shared>>) dst(%dma_wait3A_23 : memref<1000x128xf32, #tpu.memory_space<hbm>>)
        tpu.yield
      }) : () -> ()
    } else {
    }
    return
  }
}

module attributes {stable_mosaic.version = 14 : i64} {
  func.func @body(%arg0: i32, %arg1: memref<1000x256xf32, #tpu.memory_space<vmem>>, %arg2: memref<256x256xf32, #tpu.memory_space<vmem>>, %arg3: memref<1000x128xf32, #tpu.memory_space<vmem>>, %arg4: memref<1000x128xf32, #tpu.memory_space<vmem>>, %arg5: memref<2x1000x128xf32, #tpu.memory_space<vmem>>) attributes {dimension_semantics = [#tpu.dimension_semantics<arbitrary>], iteration_bounds = array<i64: 10>, scalar_prefetch = 0 : i64, scratch_operands = 0 : i64, tpu.core_type = #tpu.core_type<tc>, window_params = [{transform_indices = @transform_0, window_bounds = array<i64: 1000, 256>}, {pipeline_mode = #tpu.pipeline_mode<synchronous>, transform_indices = @transform_1, window_bounds = array<i64: 256, 256>}, {transform_indices = @transform_2, window_bounds = array<i64: 1000, 128>}, {transform_indices = @transform_3, window_bounds = array<i64: 1000, 128>}, {transform_indices = @transform_4, window_bounds = array<i64: 2, 1000, 128>}]} {
    %get3A = arith.constant 0 : index
    %get3A_0 = arith.constant 0 : index
    %get3A_1 = vector.load %arg3[%get3A, %get3A_0] : memref<1000x128xf32, #tpu.memory_space<vmem>>, vector<1000x128xf32>
    %get3A_2 = arith.constant 0 : index
    %get3A_3 = arith.constant 0 : index
    %get3A_4 = vector.load %arg4[%get3A_2, %get3A_3] : memref<1000x128xf32, #tpu.memory_space<vmem>>, vector<1000x128xf32>
    %slice3A = vector.extract_strided_slice %get3A_1 {offsets = [0, 0], sizes = [1000, 1], strides = [1, 1]} : vector<1000x128xf32> to vector<1000x1xf32>
    %slice3A_5 = vector.extract_strided_slice %get3A_4 {offsets = [0, 0], sizes = [1000, 1], strides = [1, 1]} : vector<1000x128xf32> to vector<1000x1xf32>
    %add3A = arith.addf %slice3A, %slice3A_5 : vector<1000x1xf32>
    %add3A_6 = arith.constant 1.000000e+00 : f32
    %add3A_7 = vector.broadcast %add3A_6 : f32 to vector<1000x1xf32>
    %add3A_8 = arith.addf %add3A, %add3A_7 : vector<1000x1xf32>
    %rsqrt3A = math.rsqrt %add3A_8 : vector<1000x1xf32>
    %get3A_9 = arith.constant 0 : index
    %get3A_10 = arith.constant 0 : index
    %get3A_11 = vector.load %arg1[%get3A_9, %get3A_10] : memref<1000x256xf32, #tpu.memory_space<vmem>>, vector<1000x256xf32>
    %get3A_12 = arith.constant 0 : index
    %get3A_13 = arith.constant 0 : index
    %get3A_14 = vector.load %arg2[%get3A_12, %get3A_13] : memref<256x256xf32, #tpu.memory_space<vmem>>, vector<256x256xf32>
    %dot_general3A = arith.constant dense<0.000000e+00> : vector<1000x256xf32>
    %dot_general3A_15 = tpu.matmul %get3A_11, %get3A_14, %dot_general3A {dimension_numbers = #tpu.dot_dimension_numbers<[1], [0], [0], [1], [0, 0, 1, 1], [], []>, transpose_lhs_hint = false} : vector<1000x256xf32>, vector<256x256xf32>, vector<1000x256xf32> -> vector<1000x256xf32>
    %mul3A = vector.broadcast %rsqrt3A : vector<1000x1xf32> to vector<1000x256xf32>
    %mul3A_16 = arith.mulf %dot_general3A_15, %mul3A : vector<1000x256xf32>
    %slice3A_17 = vector.extract_strided_slice %mul3A_16 {offsets = [0, 0], sizes = [1000, 128], strides = [1, 1]} : vector<1000x256xf32> to vector<1000x128xf32>
    %swap3A = arith.constant 0 : index
    %swap3A_18 = arith.constant 0 : index
    %swap3A_19 = arith.constant 0 : index
    %swap3A_20 = vector.load %arg5[%swap3A, %swap3A_18, %swap3A_19] : memref<2x1000x128xf32, #tpu.memory_space<vmem>>, vector<1x1000x128xf32>
    %swap3A_21 = vector.shape_cast %swap3A_20 : vector<1x1000x128xf32> to vector<1000x128xf32>
    %swap3A_22 = vector.shape_cast %slice3A_17 : vector<1000x128xf32> to vector<1x1000x128xf32>
    tpu.vector_store %arg5[%swap3A, %swap3A_18, %swap3A_19], %swap3A_22 {strides = array<i32>} : memref<2x1000x128xf32, #tpu.memory_space<vmem>>, vector<1x1000x128xf32>,
    %slice3A_23 = vector.extract_strided_slice %mul3A_16 {offsets = [0, 128], sizes = [1000, 128], strides = [1, 1]} : vector<1000x256xf32> to vector<1000x128xf32>
    %swap3A_24 = arith.constant 1 : index
    %swap3A_25 = arith.constant 0 : index
    %swap3A_26 = arith.constant 0 : index
    %swap3A_27 = vector.load %arg5[%swap3A_24, %swap3A_25, %swap3A_26] : memref<2x1000x128xf32, #tpu.memory_space<vmem>>, vector<1x1000x128xf32>
    %swap3A_28 = vector.shape_cast %swap3A_27 : vector<1x1000x128xf32> to vector<1000x128xf32>
    %swap3A_29 = vector.shape_cast %slice3A_23 : vector<1000x128xf32> to vector<1x1000x128xf32>
    tpu.vector_store %arg5[%swap3A_24, %swap3A_25, %swap3A_26], %swap3A_29 {strides = array<i32>} : memref<2x1000x128xf32, #tpu.memory_space<vmem>>, vector<1x1000x128xf32>,
    return
  }
  func.func @transform_0(%arg0: i32) -> (i32, i32) {
    %c0_i32 = arith.constant 0 : i32
    %c0_i32_0 = arith.constant 0 : i32
    return %arg0, %c0_i32 : i32, i32
  }
  func.func @transform_1(%arg0: i32) -> (i32, i32) {
    %c0_i32 = arith.constant 0 : i32
    %c0_i32_0 = arith.constant 0 : i32
    %c0_i32_1 = arith.constant 0 : i32
    return %c0_i32, %c0_i32_0 : i32, i32
  }
  func.func @transform_2(%arg0: i32) -> (i32, i32) {
    %c0_i32 = arith.constant 0 : i32
    %c0_i32_0 = arith.constant 0 : i32
    return %arg0, %c0_i32 : i32, i32
  }
  func.func @transform_3(%arg0: i32) -> (i32, i32) {
    %add3A = arith.constant 10 : i32
    %add3A_0 = arith.addi %arg0, %add3A : i32
    %c0_i32 = arith.constant 0 : i32
    %c0_i32_1 = arith.constant 0 : i32
    return %add3A_0, %c0_i32 : i32, i32
  }
  func.func @transform_4(%arg0: i32) -> (i32, i32, i32) {
    %c0_i32 = arith.constant 0 : i32
    %c0_i32_0 = arith.constant 0 : i32
    %c0_i32_1 = arith.constant 0 : i32
    return %c0_i32, %arg0, %c0_i32_0 : i32, i32, i32
  }
}

module attributes {stable_mosaic.version = 14 : i64} {
  func.func @body(%arg0: i32, %arg1: memref<2x1000x128xf32, #tpu.memory_space<vmem>>, %arg2: memref<2x1000x128xf32, #tpu.memory_space<vmem>>, %arg3: memref<1000x128xf32, #tpu.memory_space<vmem>>, %arg4: memref<1000x128xf32, #tpu.memory_space<vmem>>, %arg5: memref<2x128x128xf32, #tpu.memory_space<vmem>>, %arg6: memref<1x256xf32, #tpu.memory_space<vmem>>, %arg7: memref<1000x128xf32, #tpu.memory_space<vmem>>) attributes {dimension_semantics = [#tpu.dimension_semantics<arbitrary>], iteration_bounds = array<i64: 10>, scalar_prefetch = 0 : i64, scratch_operands = 0 : i64, tpu.core_type = #tpu.core_type<tc>, window_params = [{transform_indices = @transform_0, window_bounds = array<i64: 2, 1000, 128>}, {transform_indices = @transform_1, window_bounds = array<i64: 2, 1000, 128>}, {transform_indices = @transform_2, window_bounds = array<i64: 1000, 128>}, {transform_indices = @transform_3, window_bounds = array<i64: 1000, 128>}, {pipeline_mode = #tpu.pipeline_mode<synchronous>, transform_indices = @transform_4, window_bounds = array<i64: 2, 128, 128>}, {pipeline_mode = #tpu.pipeline_mode<synchronous>, transform_indices = @transform_5, window_bounds = array<i64: 1, 256>}, {transform_indices = @transform_6, window_bounds = array<i64: 1000, 128>}]} {
    %get3A = arith.constant 0 : index
    %get3A_0 = arith.constant 0 : index
    %get3A_1 = vector.load %arg3[%get3A, %get3A_0] : memref<1000x128xf32, #tpu.memory_space<vmem>>, vector<1000x128xf32>
    %get3A_2 = arith.constant 0 : index
    %get3A_3 = arith.constant 0 : index
    %get3A_4 = vector.load %arg4[%get3A_2, %get3A_3] : memref<1000x128xf32, #tpu.memory_space<vmem>>, vector<1000x128xf32>
    %slice3A = vector.extract_strided_slice %get3A_1 {offsets = [0, 0], sizes = [1000, 1], strides = [1, 1]} : vector<1000x128xf32> to vector<1000x1xf32>
    %slice3A_5 = vector.extract_strided_slice %get3A_4 {offsets = [0, 0], sizes = [1000, 1], strides = [1, 1]} : vector<1000x128xf32> to vector<1000x1xf32>
    %add3A = arith.addf %slice3A, %slice3A_5 : vector<1000x1xf32>
    %add3A_6 = arith.constant 1.000000e+00 : f32
    %add3A_7 = vector.broadcast %add3A_6 : f32 to vector<1000x1xf32>
    %add3A_8 = arith.addf %add3A, %add3A_7 : vector<1000x1xf32>
    %rsqrt3A = math.rsqrt %add3A_8 : vector<1000x1xf32>
    %get3A_9 = arith.constant 0 : index
    %get3A_10 = arith.constant 0 : index
    %get3A_11 = arith.constant 0 : index
    %get3A_12 = vector.load %arg1[%get3A_9, %get3A_10, %get3A_11] : memref<2x1000x128xf32, #tpu.memory_space<vmem>>, vector<1x1000x128xf32>
    %get3A_13 = vector.shape_cast %get3A_12 : vector<1x1000x128xf32> to vector<1000x128xf32>
    %get3A_14 = arith.constant 0 : index
    %get3A_15 = arith.constant 0 : index
    %get3A_16 = arith.constant 0 : index
    %get3A_17 = vector.load %arg2[%get3A_14, %get3A_15, %get3A_16] : memref<2x1000x128xf32, #tpu.memory_space<vmem>>, vector<1x1000x128xf32>
    %get3A_18 = vector.shape_cast %get3A_17 : vector<1x1000x128xf32> to vector<1000x128xf32>
    %add3A_19 = arith.addf %get3A_13, %get3A_18 : vector<1000x128xf32>
    %mul3A = vector.broadcast %rsqrt3A : vector<1000x1xf32> to vector<1000x128xf32>
    %mul3A_20 = arith.mulf %mul3A, %add3A_19 : vector<1000x128xf32>
    %get3A_21 = arith.constant 0 : index
    %get3A_22 = arith.constant 0 : index
    %get3A_23 = vector.load %arg6[%get3A_21, %get3A_22] : memref<1x256xf32, #tpu.memory_space<vmem>>, vector<1x128xf32>
    %add3A_24 = vector.broadcast %get3A_23 : vector<1x128xf32> to vector<1000x128xf32>
    %add3A_25 = arith.addf %mul3A_20, %add3A_24 : vector<1000x128xf32>
    %max3A = arith.constant 0.000000e+00 : f32
    %max3A_26 = vector.broadcast %max3A : f32 to vector<1000x128xf32>
    %max3A_27 = arith.maximumf %add3A_25, %max3A_26 : vector<1000x128xf32>
    %get3A_28 = arith.constant 1 : index
    %get3A_29 = arith.constant 0 : index
    %get3A_30 = arith.constant 0 : index
    %get3A_31 = vector.load %arg1[%get3A_28, %get3A_29, %get3A_30] : memref<2x1000x128xf32, #tpu.memory_space<vmem>>, vector<1x1000x128xf32>
    %get3A_32 = vector.shape_cast %get3A_31 : vector<1x1000x128xf32> to vector<1000x128xf32>
    %get3A_33 = arith.constant 1 : index
    %get3A_34 = arith.constant 0 : index
    %get3A_35 = arith.constant 0 : index
    %get3A_36 = vector.load %arg2[%get3A_33, %get3A_34, %get3A_35] : memref<2x1000x128xf32, #tpu.memory_space<vmem>>, vector<1x1000x128xf32>
    %get3A_37 = vector.shape_cast %get3A_36 : vector<1x1000x128xf32> to vector<1000x128xf32>
    %add3A_38 = arith.addf %get3A_32, %get3A_37 : vector<1000x128xf32>
    %mul3A_39 = vector.broadcast %rsqrt3A : vector<1000x1xf32> to vector<1000x128xf32>
    %mul3A_40 = arith.mulf %mul3A_39, %add3A_38 : vector<1000x128xf32>
    %get3A_41 = arith.constant 0 : index
    %get3A_42 = arith.constant 128 : index
    %get3A_43 = vector.load %arg6[%get3A_41, %get3A_42] : memref<1x256xf32, #tpu.memory_space<vmem>>, vector<1x128xf32>
    %add3A_44 = vector.broadcast %get3A_43 : vector<1x128xf32> to vector<1000x128xf32>
    %add3A_45 = arith.addf %mul3A_40, %add3A_44 : vector<1000x128xf32>
    %max3A_46 = arith.constant 0.000000e+00 : f32
    %max3A_47 = vector.broadcast %max3A_46 : f32 to vector<1000x128xf32>
    %max3A_48 = arith.maximumf %add3A_45, %max3A_47 : vector<1000x128xf32>
    %get3A_49 = arith.constant 0 : index
    %get3A_50 = arith.constant 0 : index
    %get3A_51 = arith.constant 0 : index
    %get3A_52 = vector.load %arg5[%get3A_49, %get3A_50, %get3A_51] : memref<2x128x128xf32, #tpu.memory_space<vmem>>, vector<1x128x128xf32>
    %get3A_53 = vector.shape_cast %get3A_52 : vector<1x128x128xf32> to vector<128x128xf32>
    %dot_general3A = arith.constant dense<0.000000e+00> : vector<1000x128xf32>
    %dot_general3A_54 = tpu.matmul %max3A_27, %get3A_53, %dot_general3A {dimension_numbers = #tpu.dot_dimension_numbers<[1], [0], [0], [1], [0, 0, 1, 1], [], []>, transpose_lhs_hint = false} : vector<1000x128xf32>, vector<128x128xf32>, vector<1000x128xf32> -> vector<1000x128xf32>
    %get3A_55 = arith.constant 1 : index
    %get3A_56 = arith.constant 0 : index
    %get3A_57 = arith.constant 0 : index
    %get3A_58 = vector.load %arg5[%get3A_55, %get3A_56, %get3A_57] : memref<2x128x128xf32, #tpu.memory_space<vmem>>, vector<1x128x128xf32>
    %get3A_59 = vector.shape_cast %get3A_58 : vector<1x128x128xf32> to vector<128x128xf32>
    %dot_general3A_60 = arith.constant dense<0.000000e+00> : vector<1000x128xf32>
    %dot_general3A_61 = tpu.matmul %max3A_48, %get3A_59, %dot_general3A_60 {dimension_numbers = #tpu.dot_dimension_numbers<[1], [0], [0], [1], [0, 0, 1, 1], [], []>, transpose_lhs_hint = false} : vector<1000x128xf32>, vector<128x128xf32>, vector<1000x128xf32> -> vector<1000x128xf32>
    %add3A_62 = arith.addf %dot_general3A_54, %dot_general3A_61 : vector<1000x128xf32>
    %mul3A_63 = vector.broadcast %rsqrt3A : vector<1000x1xf32> to vector<1000x128xf32>
    %mul3A_64 = arith.mulf %mul3A_63, %add3A_62 : vector<1000x128xf32>
    %swap3A = arith.constant 0 : index
    %swap3A_65 = arith.constant 0 : index
    %swap3A_66 = vector.load %arg7[%swap3A, %swap3A_65] : memref<1000x128xf32, #tpu.memory_space<vmem>>, vector<1000x128xf32>
    tpu.vector_store %arg7[%swap3A, %swap3A_65], %mul3A_64 {strides = array<i32>} : memref<1000x128xf32, #tpu.memory_space<vmem>>, vector<1000x128xf32>,
    return
  }
  func.func @transform_0(%arg0: i32) -> (i32, i32, i32) {
    %c0_i32 = arith.constant 0 : i32
    %c0_i32_0 = arith.constant 0 : i32
    %c0_i32_1 = arith.constant 0 : i32
    return %c0_i32, %arg0, %c0_i32_0 : i32, i32, i32
  }
  func.func @transform_1(%arg0: i32) -> (i32, i32, i32) {
    %c0_i32 = arith.constant 0 : i32
    %c0_i32_0 = arith.constant 0 : i32
    %c0_i32_1 = arith.constant 0 : i32
    return %c0_i32, %arg0, %c0_i32_0 : i32, i32, i32
  }
  func.func @transform_2(%arg0: i32) -> (i32, i32) {
    %c0_i32 = arith.constant 0 : i32
    %c0_i32_0 = arith.constant 0 : i32
    return %arg0, %c0_i32 : i32, i32
  }
  func.func @transform_3(%arg0: i32) -> (i32, i32) {
    %add3A = arith.constant 10 : i32
    %add3A_0 = arith.addi %arg0, %add3A : i32
    %c0_i32 = arith.constant 0 : i32
    %c0_i32_1 = arith.constant 0 : i32
    return %add3A_0, %c0_i32 : i32, i32
  }
  func.func @transform_4(%arg0: i32) -> (i32, i32, i32) {
    %c0_i32 = arith.constant 0 : i32
    %c0_i32_0 = arith.constant 0 : i32
    %c0_i32_1 = arith.constant 0 : i32
    %c0_i32_2 = arith.constant 0 : i32
    return %c0_i32, %c0_i32_0, %c0_i32_1 : i32, i32, i32
  }
  func.func @transform_5(%arg0: i32) -> (i32, i32) {
    %c0_i32 = arith.constant 0 : i32
    %c0_i32_0 = arith.constant 0 : i32
    %c0_i32_1 = arith.constant 0 : i32
    return %c0_i32, %c0_i32_0 : i32, i32
  }
  func.func @transform_6(%arg0: i32) -> (i32, i32) {
    %c0_i32 = arith.constant 0 : i32
    %c0_i32_0 = arith.constant 0 : i32
    return %arg0, %c0_i32 : i32, i32
  }
}

module attributes {stable_mosaic.version = 14 : i64} {
  func.func @body(%arg0: i32, %arg1: memref<2x1000x128xf32, #tpu.memory_space<vmem>>, %arg2: memref<1000x128xf32, #tpu.memory_space<vmem>>, %arg3: memref<1000x128xf32, #tpu.memory_space<vmem>>, %arg4: memref<1000x128xf32, #tpu.memory_space<vmem>>, %arg5: memref<1x128xf32, #tpu.memory_space<vmem>>, %arg6: memref<1000x128xf32, #tpu.memory_space<vmem>>) attributes {dimension_semantics = [#tpu.dimension_semantics<arbitrary>], iteration_bounds = array<i64: 10>, scalar_prefetch = 0 : i64, scratch_operands = 0 : i64, tpu.core_type = #tpu.core_type<tc>, window_params = [{transform_indices = @transform_0, window_bounds = array<i64: 2, 1000, 128>}, {transform_indices = @transform_1, window_bounds = array<i64: 1000, 128>}, {transform_indices = @transform_2, window_bounds = array<i64: 1000, 128>}, {transform_indices = @transform_3, window_bounds = array<i64: 1000, 128>}, {pipeline_mode = #tpu.pipeline_mode<synchronous>, transform_indices = @transform_4, window_bounds = array<i64: 1, 128>}, {transform_indices = @transform_5, window_bounds = array<i64: 1000, 128>}]} {
    %get3A = arith.constant 0 : index
    %get3A_0 = arith.constant 0 : index
    %get3A_1 = vector.load %arg3[%get3A, %get3A_0] : memref<1000x128xf32, #tpu.memory_space<vmem>>, vector<1000x128xf32>
    %get3A_2 = arith.constant 0 : index
    %get3A_3 = arith.constant 0 : index
    %get3A_4 = vector.load %arg4[%get3A_2, %get3A_3] : memref<1000x128xf32, #tpu.memory_space<vmem>>, vector<1000x128xf32>
    %slice3A = vector.extract_strided_slice %get3A_1 {offsets = [0, 0], sizes = [1000, 1], strides = [1, 1]} : vector<1000x128xf32> to vector<1000x1xf32>
    %slice3A_5 = vector.extract_strided_slice %get3A_4 {offsets = [0, 0], sizes = [1000, 1], strides = [1, 1]} : vector<1000x128xf32> to vector<1000x1xf32>
    %add3A = arith.addf %slice3A, %slice3A_5 : vector<1000x1xf32>
    %add3A_6 = arith.constant 1.000000e+00 : f32
    %add3A_7 = vector.broadcast %add3A_6 : f32 to vector<1000x1xf32>
    %add3A_8 = arith.addf %add3A, %add3A_7 : vector<1000x1xf32>
    %rsqrt3A = math.rsqrt %add3A_8 : vector<1000x1xf32>
    %get3A_9 = arith.constant 0 : index
    %get3A_10 = arith.constant 0 : index
    %get3A_11 = arith.constant 0 : index
    %get3A_12 = vector.load %arg1[%get3A_9, %get3A_10, %get3A_11] : memref<2x1000x128xf32, #tpu.memory_space<vmem>>, vector<1x1000x128xf32>
    %get3A_13 = vector.shape_cast %get3A_12 : vector<1x1000x128xf32> to vector<1000x128xf32>
    %get3A_14 = arith.constant 1 : index
    %get3A_15 = arith.constant 0 : index
    %get3A_16 = arith.constant 0 : index
    %get3A_17 = vector.load %arg1[%get3A_14, %get3A_15, %get3A_16] : memref<2x1000x128xf32, #tpu.memory_space<vmem>>, vector<1x1000x128xf32>
    %get3A_18 = vector.shape_cast %get3A_17 : vector<1x1000x128xf32> to vector<1000x128xf32>
    %add3A_19 = arith.addf %get3A_13, %get3A_18 : vector<1000x128xf32>
    %get3A_20 = arith.constant 0 : index
    %get3A_21 = arith.constant 0 : index
    %get3A_22 = vector.load %arg2[%get3A_20, %get3A_21] : memref<1000x128xf32, #tpu.memory_space<vmem>>, vector<1000x128xf32>
    %add3A_23 = arith.addf %add3A_19, %get3A_22 : vector<1000x128xf32>
    %mul3A = vector.broadcast %rsqrt3A : vector<1000x1xf32> to vector<1000x128xf32>
    %mul3A_24 = arith.mulf %mul3A, %add3A_23 : vector<1000x128xf32>
    %get3A_25 = arith.constant 0 : index
    %get3A_26 = arith.constant 0 : index
    %get3A_27 = vector.load %arg5[%get3A_25, %get3A_26] : memref<1x128xf32, #tpu.memory_space<vmem>>, vector<1x128xf32>
    %add3A_28 = vector.broadcast %get3A_27 : vector<1x128xf32> to vector<1000x128xf32>
    %add3A_29 = arith.addf %mul3A_24, %add3A_28 : vector<1000x128xf32>
    %swap3A = arith.constant 0 : index
    %swap3A_30 = arith.constant 0 : index
    %swap3A_31 = vector.load %arg6[%swap3A, %swap3A_30] : memref<1000x128xf32, #tpu.memory_space<vmem>>, vector<1000x128xf32>
    tpu.vector_store %arg6[%swap3A, %swap3A_30], %add3A_29 {strides = array<i32>} : memref<1000x128xf32, #tpu.memory_space<vmem>>, vector<1000x128xf32>,
    return
  }
  func.func @transform_0(%arg0: i32) -> (i32, i32, i32) {
    %c0_i32 = arith.constant 0 : i32
    %c0_i32_0 = arith.constant 0 : i32
    %c0_i32_1 = arith.constant 0 : i32
    return %c0_i32, %arg0, %c0_i32_0 : i32, i32, i32
  }
  func.func @transform_1(%arg0: i32) -> (i32, i32) {
    %c0_i32 = arith.constant 0 : i32
    %c0_i32_0 = arith.constant 0 : i32
    return %arg0, %c0_i32 : i32, i32
  }
  func.func @transform_2(%arg0: i32) -> (i32, i32) {
    %c0_i32 = arith.constant 0 : i32
    %c0_i32_0 = arith.constant 0 : i32
    return %arg0, %c0_i32 : i32, i32
  }
  func.func @transform_3(%arg0: i32) -> (i32, i32) {
    %add3A = arith.constant 10 : i32
    %add3A_0 = arith.addi %arg0, %add3A : i32
    %c0_i32 = arith.constant 0 : i32
    %c0_i32_1 = arith.constant 0 : i32
    return %add3A_0, %c0_i32 : i32, i32
  }
  func.func @transform_4(%arg0: i32) -> (i32, i32) {
    %c0_i32 = arith.constant 0 : i32
    %c0_i32_0 = arith.constant 0 : i32
    %c0_i32_1 = arith.constant 0 : i32
    return %c0_i32, %c0_i32_0 : i32, i32
  }
  func.func @transform_5(%arg0: i32) -> (i32, i32) {
    %c0_i32 = arith.constant 0 : i32
    %c0_i32_0 = arith.constant 0 : i32
    return %arg0, %c0_i32 : i32, i32
  }
}

module attributes {stable_mosaic.version = 14 : i64} {
  func.func @body(%arg0: i32, %arg1: memref<400x128xf32, #tpu.memory_space<vmem>>, %arg2: memref<10000x128xf32, #tpu.memory_space<vmem>>, %arg3: memref<400x10000xf32, #tpu.memory_space<vmem>>) attributes {dimension_semantics = [#tpu.dimension_semantics<arbitrary>], iteration_bounds = array<i64: 25>, scalar_prefetch = 0 : i64, scratch_operands = 0 : i64, tpu.core_type = #tpu.core_type<tc>, window_params = [{transform_indices = @transform_0, window_bounds = array<i64: 400, 128>}, {pipeline_mode = #tpu.pipeline_mode<synchronous>, transform_indices = @transform_1, window_bounds = array<i64: 10000, 128>}, {transform_indices = @transform_2, window_bounds = array<i64: 400, 10000>}]} {
    %get3A = arith.constant 0 : index
    %get3A_0 = arith.constant 0 : index
    %get3A_1 = vector.load %arg1[%get3A, %get3A_0] : memref<400x128xf32, #tpu.memory_space<vmem>>, vector<400x128xf32>
    %get3A_2 = arith.constant 0 : index
    %get3A_3 = arith.constant 0 : index
    %get3A_4 = vector.load %arg2[%get3A_2, %get3A_3] : memref<10000x128xf32, #tpu.memory_space<vmem>>, vector<10000x128xf32>
    %dot_general3A = arith.constant dense<0.000000e+00> : vector<400x10000xf32>
    %dot_general3A_5 = tpu.matmul %get3A_1, %get3A_4, %dot_general3A {dimension_numbers = #tpu.dot_dimension_numbers<[1], [1], [0], [0], [0, 0, 1, 0], [], []>, transpose_lhs_hint = false} : vector<400x128xf32>, vector<10000x128xf32>, vector<400x10000xf32> -> vector<400x10000xf32>
    %logistic3A = arith.negf %dot_general3A_5 : vector<400x10000xf32>
    %logistic3A_6 = math.exp %logistic3A : vector<400x10000xf32>
    %logistic3A_7 = arith.constant 1.000000e+00 : f32
    %logistic3A_8 = vector.broadcast %logistic3A_7 : f32 to vector<400x10000xf32>
    %logistic3A_9 = arith.addf %logistic3A_8, %logistic3A_6 : vector<400x10000xf32>
    %logistic3A_10 = arith.divf %logistic3A_8, %logistic3A_9 : vector<400x10000xf32>
    %swap3A = arith.constant 0 : index
    %swap3A_11 = arith.constant 0 : index
    %swap3A_12 = vector.load %arg3[%swap3A, %swap3A_11] : memref<400x10000xf32, #tpu.memory_space<vmem>>, vector<400x10000xf32>
    tpu.vector_store %arg3[%swap3A, %swap3A_11], %logistic3A_10 {strides = array<i32>} : memref<400x10000xf32, #tpu.memory_space<vmem>>, vector<400x10000xf32>,
    return
  }
  func.func @transform_0(%arg0: i32) -> (i32, i32) {
    %c0_i32 = arith.constant 0 : i32
    %c0_i32_0 = arith.constant 0 : i32
    return %arg0, %c0_i32 : i32, i32
  }
  func.func @transform_1(%arg0: i32) -> (i32, i32) {
    %c0_i32 = arith.constant 0 : i32
    %c0_i32_0 = arith.constant 0 : i32
    %c0_i32_1 = arith.constant 0 : i32
    return %c0_i32, %c0_i32_0 : i32, i32
  }
  func.func @transform_2(%arg0: i32) -> (i32, i32) {
    %c0_i32 = arith.constant 0 : i32
    %c0_i32_0 = arith.constant 0 : i32
    return %arg0, %c0_i32 : i32, i32
  }
}

</mosaic_0001>

<sc_bundles>
// kernel: kernel.12.cloned.1.call-start
scs
__scs_entry_jumppad:
0x0: {  	(pc) =	sbr.rel $0x88, $3  }
0x1: {  	(tag) =	ssettag $0x0;
	lr =	simm.s32 $0x1  }
0x2: {  	[smem:$0x3F9B] =	sst lr;
	_ =	strace $0xD0000000  }
0x3: {  	_ = 	snop  }
0x4: {  	_ = 	snop  }
0x5: {  	_ = 	snop  }
0x6: {  	_ = 	snop  }
0x7: {  	_ = 	snop  }
__scs_overlays_trampoline_lowered:
0x8: {  	[smem:$0x3FAA] =	sst s0  }
0x9: {  	[smem:$0x3FAB] =	sst s1  }
0xa: {  	[smem:$0x3FAC] =	sst s2  }
0xb: {  	[smem:$0x3FAD] =	sst s3  }
0xc: {  	[smem:$0x3FAE] =	sst s4  }
0xd: {  	[smem:$0x3FAF] =	sst s5  }
0xe: {  	[smem:$0x3FB0] =	sst s6  }
0xf: {  	[smem:$0x3FB1] =	sst s7  }
0x10: {  	[smem:$0x3FB2] =	sst s8  }
0x11: {  	[smem:$0x3FB3] =	sst s9;
	s0 =	simm.s32 @!p0 $0x0  }
0x12: {  	s1 =	sld [smem:$0x3F99];
	s0 =	simm.s32 @p0 $0x1  }
0x13: {  	[smem:$0x3FB4] =	sst s0;
	s0 =	simm.s32 @!p1 $0x0  }
0x14: {  	s2 =	sld [smem:$0x3F98];
	s0 =	simm.s32 @p1 $0x1  }
0x15: {  	[smem:$0x3FB5] =	sst s0;
	s0 =	simm.s32 @!p2 $0x0  }
0x16: {  	s3 =	sld [smem:$0x3FDB];
	s0 =	simm.s32 @p2 $0x1  }
0x17: {  	s4 =	simm.s32 $0x1BF5;
	[smem:$0x3FB7] =	sst s0  }
0x18: {  	s0 =	sld [smem:$0x3F9A];
	_ =	swait.ge [sflag:s4], $0x0  }
0x19: {  	s7 =	sld [smem:$0x3F9B]  }
0x1a: {  	s8 =	sadd.s32 $0xFFFFE003, lr  }
0x1b: {  	s9 =	sadd.s32 $0xFFFFFEF7, lr;
	s5 =	simm.s32 $0xFFFFFFFF;
	p2 =	slt.u32 s8, $0xFFFFF086  }
0x1c: {  	p1 =	slt.u32 s9, $0xF7A;
	s5 =	simm.s32 @!p2 $0x0  }
0x1d: {  	s5 =	simm.s32 @p1 $0x1;
	p0 =	seq.s32 s7, s2  }
0x1e: {  	s7 =	smul.u32 @!p0 $0xF7A, s2;
	p2 =	seq.s32 @!p0 s5, $0x0  }
0x1f: {  	s9 =	smul.u32 $0xF7A, s1;
	s8 =	simm.s32 @!p0 $0x1BF5;
	p2 =	por !p2, p0  }
0x20: {  	[sflag:s8] =	ssyncset.s32 @!p0 $0xFFFFF086;
	s6 =	sadd.s32 @!p0 s3, s7;
	s7 =	simm.s32 @!p0 $0x108  }
0x21: {  	s3 =	sadd.s32 s3, s9;
	s6 =	sadd.s32 @!p0 $0x88, s6;
	s7 =	simm.s32 @p2 $0x1082  }
0x22: {  	[simem:s7], [sflag:s8] =	dma.local @!p0 [hbm:s6], $0xF7A  }
0x23: {  	s9 =	sor.u32 $0xD0000000, s2;
	s6 =	simm.s32 $0x108;
	_ =	swait.ge @!p0 [sflag:s8], $0x0  }
0x24: {  	s3 =	sadd.s32 $0x88, s3;
	s6 =	simm.s32 @!p1 $0x1082;
	[sflag:s4] =	ssyncset.s32 $0xFFFFF086  }
0x25: {  	[simem:s6], [sflag:s4] =	dma.local [hbm:s3], $0xF7A  }
0x26: {  	[smem:$0x3F9B] =	sst s1;
	(tag) =	ssettag s2;
	_ =	strace s9  }
0x27: {  	s1 =	sld [smem:$0x3FAB]  }
0x28: {  	s2 =	sld [smem:$0x3FAC]  }
0x29: {  	s4 =	sld [smem:$0x3FAE]  }
0x2a: {  	p0 =	seq.s32 s5, $0x0;
	s5 =	sld [smem:$0x3FAF]  }
0x2b: {  	s6 =	sld [smem:$0x3FB0]  }
0x2c: {  	s7 =	sld [smem:$0x3FB1]  }
0x2d: {  	s3 =	simm.s32 $0x108;
	s8 =	sld [smem:$0x3FB2]  }
0x2e: {  	s3 =	simm.s32 @!p0 $0x1082;
	s9 =	sld [smem:$0x3FB3]  }
0x2f: {  	lr =	sadd.s32 s0, s3;
	s0 =	sld [smem:$0x3FAA]  }
0x30: {  	s3 =	sld [smem:$0x3FAD]  }
0x31: {  	[smem:$0x3FB6] =	sst s10  }
0x32: {  	s10 =	sld [smem:$0x3FB4];
	_ =	sdelay $0x3  }
0x33: {  	p0 =	seq.s32 s10, $0x1;
	s10 =	sld [smem:$0x3FB6];
	_ =	sdelay $0x3  }
0x34: {  	[smem:$0x3FB6] =	sst s10  }
0x35: {  	s10 =	sld [smem:$0x3FB5];
	_ =	sdelay $0x3  }
0x36: {  	p1 =	seq.s32 s10, $0x1;
	s10 =	sld [smem:$0x3FB6];
	_ =	sdelay $0x3  }
0x37: {  	[smem:$0x3FB6] =	sst s10  }
0x38: {  	s10 =	sld [smem:$0x3FB7]  }
0x39: {  	_ = 	snop;
	(pc) =	sbr.ind lr, $3  }
0x3a: {  	_ = 	snop  }
0x3b: {  	_ = 	snop  }
0x3c: {  	p2 =	seq.s32 s10, $0x1;
	s10 =	sld [smem:$0x3FB6]  }
0x3d: {  	_ =	shalt  }
0x3e: {  	_ =	shalt  }
0x3f: {  	_ =	shalt  }
0x40: {  	_ =	shalt  }
0x41: {  	_ =	shalt  }
0x42: {  	_ =	shalt  }
0x43: {  	_ =	shalt  }
0x44: {  	_ =	shalt  }
0x45: {  	_ =	shalt  }
0x46: {  	_ =	shalt  }
0x47: {  	_ =	shalt  }
0x48: {  	_ =	shalt  }
0x49: {  	_ =	shalt  }
0x4a: {  	_ =	shalt  }
0x4b: {  	_ =	shalt  }
0x4c: {  	_ =	shalt  }
0x4d: {  	_ =	shalt  }
0x4e: {  	_ =	shalt  }
0x4f: {  	_ =	shalt  }
0x50: {  	_ =	shalt  }
0x51: {  	_ =	shalt  }
0x52: {  	_ =	shalt  }
0x53: {  	_ =	shalt  }
0x54: {  	_ =	shalt  }
0x55: {  	_ =	shalt  }
0x56: {  	_ =	shalt  }
0x57: {  	_ =	shalt  }
0x58: {  	_ =	shalt  }
0x59: {  	_ =	shalt  }
0x5a: {  	_ =	shalt  }
0x5b: {  	_ =	shalt  }
0x5c: {  	_ =	shalt  }
0x5d: {  	_ =	shalt  }
0x5e: {  	_ =	shalt  }
0x5f: {  	_ =	shalt  }
0x60: {  	_ =	shalt  }
0x61: {  	_ =	shalt  }
0x62: {  	_ =	shalt  }
0x63: {  	_ =	shalt  }
0x64: {  	_ =	shalt  }
0x65: {  	_ =	shalt  }
0x66: {  	_ =	shalt  }
0x67: {  	_ =	shalt  }
0x68: {  	_ =	shalt  }
0x69: {  	_ =	shalt  }
0x6a: {  	_ =	shalt  }
0x6b: {  	_ =	shalt  }
0x6c: {  	_ =	shalt  }
0x6d: {  	_ =	shalt  }
0x6e: {  	_ =	shalt  }
0x6f: {  	_ =	shalt  }
0x70: {  	_ =	shalt  }
0x71: {  	_ =	shalt  }
0x72: {  	_ =	shalt  }
0x73: {  	_ =	shalt  }
0x74: {  	_ =	shalt  }
0x75: {  	_ =	shalt  }
0x76: {  	_ =	shalt  }
0x77: {  	_ =	shalt  }
0x78: {  	_ =	shalt  }
0x79: {  	_ =	shalt  }
0x7a: {  	_ =	shalt  }
0x7b: {  	_ =	shalt  }
0x7c: {  	_ =	shalt  }
0x7d: {  	_ =	shalt  }
0x7e: {  	_ =	shalt  }
0x7f: {  	_ =	shalt  }
0x80: {  	_ =	shalt  }
0x81: {  	_ =	shalt  }
0x82: {  	_ =	shalt  }
0x83: {  	_ =	shalt  }
0x84: {  	_ =	shalt  }
0x85: {  	_ =	shalt  }
0x86: {  	_ =	shalt  }
0x87: {  	_ =	shalt  }
.Lfunc_end0:
.L_simem_size_0:
called_computation.1_lowered:
.L_overlay_start_0:
0x88: {  	s2 =	sld [smem:$0x3FD9]  }
0x89: {  	s3 =	sld [smem:$0x3FFE];
	_ =	sdelay $0x1  }
0x8a: {  	s1 =	srdreg.scid  }
0x8b: {  	s0 =	sand.u32 $0x1, s1  }
0x8c: {  	s14 =	sshll.u32 s0, $0xA;
	s2 =	sadd.s32 s3, s2  }
0x8d: {  	s2 =	sadd.s32 s2, s14  }
0x8e: {  	[smem:$0x3FC2] =	sst s2  }
0x8f: {  	_ = 	snop  }
0x90: {  	s2 =	sld [smem:$0x3FD0];
	_ =	sdelay $0x2  }
0x91: {  	s15 =	simm.s32 $0xA;
	s4 =	simm.s32 $0x10  }
0x92: {  	[smem:s4], [sflag:s15] =	dma.local [hbm:s2], $0x1  }
0x93: {  	_ =	swait.eq [sflag:s15], $0x1  }
0x94: {  	[sflag:s15] =	ssyncset.done $0x0  }
0x95: {  	[sflag:s15] =	ssyncadd.s32 $0xFFFFFFFF  }
0x96: {  	s16 =	sld [smem:$0x10];
	(tm) =	ssettm $0x1  }
0x97: {  	s17 =	sld [smem:$0x3FFB];
	_ =	sdelay $0x3  }
0x98: {  	_ =	strace s17  }
0x99: {  	s3 =	sld [smem:$0x3FFC];
	_ =	sdelay $0x3  }
0x9a: {  	_ =	strace s3  }
0x9b: {  	s3 =	sld [smem:$0x3FFD];
	_ =	sdelay $0x3  }
0x9c: {  	_ =	strace s3  }
0x9d: {  	_ =	strace $0x8FFFFFFF  }
0x9e: {  	s18 =	sld [smem:$0x3FDB];
	_ =	sdelay $0x1  }
0x9f: {  	s19 =	simm.s32 $_scs_section_size  }
0xa0: {  	s5 =	simm.s32 $_size__tile_overlayer_lowered;
	s6 =	simm.s32 $_tile_overlayer_lowered  }
0xa1: {  	s22 =	simm.s32 $0x1BFF;
	s21 =	sshll.u32 s6, $0x1;
	s3 =	sadd.s32 s19, s18  }
0xa2: {  	s7 =	simm.s32 $0x0;
	s20 =	sshll.u32 s5, $0x1;
	s5 =	sadd.s32 s21, s3  }
0xa3: {  	[timem:s7], [sflag:s22] =	dma.local [hbm:s5], s20  }
0xa4: {  	_ =	swait.ge [sflag:s22], s20  }
0xa5: {  	s4 =	ssub.s32 $0x0, s20;
	[sflag:s22] =	ssyncset.done $0x0  }
0xa6: {  	[sflag:s22] =	ssyncadd.s32 s4;
	_ =	sdelay $0x1  }
0xa7: {  	s23 =	simm.s32 $0x1B8B  }
0xa8: {  	_ =	swait.ge [sflag:s23], $0x1  }
0xa9: {  	[sflag:s23] =	ssyncset.done $0x0  }
0xaa: {  	s25 =	simm.s32 $0x1B8E;
	s24 =	sld [smem:$0x3FFE];
	[sflag:s23] =	ssyncadd.s32 $0xFFFFFFFF  }
0xab: {  	s26 =	simm.s32 $execute0_lowered;
	[smem:$0x3FD2] =	sst s25  }
0xac: {  	s5 =	sshll.u32 s26, $0x1;
	_ =	strace $0x80000049;
	[dreg:$0x1] =	wrdreg $0xFFFFFFFF  }
0xad: {  	s28 =	simm.s32 $_size_execute0_lowered;
	s3 =	sadd.s32 s3, s5;
	[dreg:$0x0] =	wrdreg $0x0  }
0xae: {  	s5 =	sshll.u32 s28, $0x1;
	[dreg:$0x2] =	wrdreg s3  }
0xaf: {  	[dreg:$0x3] =	wrdreg s5  }
0xb0: {  	[dreg:$0x4] =	wrdreg $0xC0  }
0xb1: {  	_ =	task [dreg:s7], $0x5FFFF  }
0xb2: {  	[dreg:$0x1] =	wrdreg $0xFFFFFFFF  }
0xb3: {  	[dreg:$0x0] =	wrdreg $0x60  }
0xb4: {  	[dreg:$0x2] =	wrdreg s16  }
0xb5: {  	[dreg:$0x3] =	wrdreg s24  }
0xb6: {  	[dreg:$0x4] =	wrdreg $0x0  }
0xb7: {  	[dreg:$0x5] =	wrdreg $0x9  }
0xb8: {  	_ =	task.clear_ibuf [dreg:s7], $0x6FFFF;
	_ =	strace $0x90000049  }
0xb9: {  	s29 =	simm.s32 $0x9;
	_ =	strace $0x8000004B  }
0xba: {  	_ =	swait.ge [sflag:s29], $0x1  }
0xbb: {  	[sflag:s29] =	ssyncadd.s32 $0xFFFFFFFF  }
0xbc: {  	_ =	strace $0x9000004B  }
0xbd: {  	_ =	sfence  }
0xbe: {  	s30 =	sld [smem:$0x0];
	_ =	sdelay $0x2  }
0xbf: {  	s31 =	sshll.u32 s1, $0xD;
	s1 =	sshrl.u32 s1, $0x2  }
0xc0: {  	s3 =	sand.u32 $0x4000, s31;
	s1 =	sadd.s32 s1, s30  }
0xc1: {  	s0 =	sor.u32 s3, s0;
	s1 =	sshll.u32 s1, $0x11  }
0xc2: {  	s0 =	sor.u32 s1, s0  }
0xc3: {  	s0 =	sadd.s32 $0x8F2B, s0  }
0xc4: {  	[sflag:s0] =	ssyncadd.remote.s32 $0x1  }
0xc5: {  	_ =	sfence.sel $0xFFFF  }
0xc6: {  	[dreg:$0x0] =	wrdreg $0xFFFFFFFF;
	(pc) =	sbr.abs _section_cstart, $3  }
0xc7: {  	[dreg:$0x1] =	wrdreg $0xFFFFFFFF  }
0xc8: {  	_ =	task.clear_ibuf [dreg:s7], $0x2FFFF;
	_ =	strace $0x9FFFFFFF  }
0xc9: {  	(tm) =	ssettm $0x7FFFFFFF  }
tec
execute0_lowered:
.L_overlay_start_1:
0x0: {  	(tag) =	ssettag $0x1  }
0x1: {  	s1 =	rddreg [dreg:$0x0]  }
0x2: {  	s6 =	rddreg [dreg:$0x1]  }
0x3: {  	s0 =	stileid.u32;
	s2 =	srdreg.scid  }
0x4: {  	s3 =	rddreg [dreg:$0x2];
	s4 =	simm.s32 $0x0;
	s14 =	simm.s32 $0x13C80  }
0x5: {  	s15 =	simm.s32 $0x80;
	s16 =	simm.s32 $0x13D00;
	s5 =	smul.u32 $0x9E0, s0  }
0x6: {  	s7 =	sand.u32 $0x1, s2;
	s2 =	rddreg [dreg:$0x3];
	s8 =	smul.u32 $0x3E8, s0  }
0x7: {  	s19 =	simm.s32 $0x0;
	[smem:$0x7FF] =	sst s4;
	s9 =	smul.u32 $0x4F000, s0  }
0x8: {  	s11 =	smul.u32 $0x7D000, s0;
	s30 =	sshll.u32 s0, $0x6;
	p0 =	sgt.u32 s0, $0x9  }
0x9: {  	s17 =	smul.u32 $0x2710, s7;
	_ =	strace $0x8000004A;
	s7 =	ssub.s32 $0x2, s7  }
0xa: {  	s10 =	sadd.s32 s5, s6;
	s5 =	sadd.s32 $0xC200, s6;
	s28 =	sshrl.u32 s7, $0x1  }
0xb: {  	s29 =	sshrl.u32 s9, $0x2;
	s31 =	sshrl.u32 s11, $0x2;
	s8 =	sadd.s32 s8, s17  }
0xc: {  	s12 =	ssub.s32 s7, s28;
	s13 =	sadd.s32 s29, s3;
	s18 =	sadd.s32 s31, s3  }
0xd: {  	s9 =	sadd.s32 $0x2400, s10;
	s10 =	sadd.s32 $0x5CC00, s10;
	v0 =	vmov s17;
	s17 =	simm.s32 $0x1  }
0xe: {  	s8 =	sshll.u32 s8, $0x4;
	s11 =	sshrl.u32 s13, $0x3;
	s13 =	simm.s32 $0x13C00  }
0xf: {  	s18 =	sshrl.u32 @!p0 s18, $0x3;
	s8 =	sadd.s32 s8, s6;
	s6 =	sor.u32 $0x1C02, s30  }
0x10: {  	s7 =	sadd.s32 $0x66A00, s8;
	s8 =	smax.u32 s12, $0x1;
	s12 =	simm.s32 $0x2  }
.LBB2_1:
0x11: {  	[spmem:s11], [sflag:s6] =	dma.local [hbm:s5], $0x2780  }
0x12: {  	_ =	swait.ge [sflag:s12], $0x2780  }
0x13: {  	[sflag:s12] =	ssyncset.done $0x0  }
0x14: {  	[sflag:s12] =	ssyncadd.s32 $0xFFFFD880  }
0x15: {  	s20 =	sadd.s32 $0x0, s10;
	[bflag:$0x0] =	sbarrier.arrive $0xFFFF  }
0x16: {  	[tilespmem:s13], [sflag:$0x2] =	stream.linear.gather [hbm4b:s20+s4], $0x80, $0x38;
	[tilespmem:$0x17D00] =	vst v63  }
0x17: {  	_ =	swait.ge [sflag:s12], $0x80  }
0x18: {  	[sflag:s12] =	ssyncset.done $0x0  }
0x19: {  	s31 =	sadd.s32 $0x0, s9;
	[sflag:s12] =	ssyncadd.s32 $0xFFFFFF80  }
0x1a: {  	[tilespmem:s14], [sflag:$0x2] =	stream.linear.gather [hbm4b:s31+s4], $0x80, $0x38;
	[tilespmem:$0x17D00] =	vst v63  }
0x1b: {  	_ =	swait.ge [sflag:s12], $0x80  }
0x1c: {  	[sflag:s12] =	ssyncset.done $0x0  }
0x1d: {  	[sflag:s12] =	ssyncadd.s32 $0xFFFFFF80  }
0x1e: {  	v1 =	vld [tilespmem:$0x13C70]  }
0x1f: {  	v2 =	vld [tilespmem:$0x13C30]  }
0x20: {  	v3 =	vld [tilespmem:$0x13C50]  }
0x21: {  	v5 =	vld [tilespmem:$0x13C20]  }
0x22: {  	v4 =	vld [tilespmem:$0x13C60]  }
0x23: {  	v6 =	vld [tilespmem:$0x13C10];
	v1 =	vadd.s32 v0, v1  }
0x24: {  	v7 =	vld [tilespmem:$0x13C40];
	v2 =	vadd.s32 v0, v2;
	[tilespmem:$0x13C70] =	vst v1  }
0x25: {  	v1 =	vld [tilespmem:$0x13C00];
	[tilespmem:$0x13C30] =	vst v2;
	v2 =	vadd.s32 v0, v3  }
0x26: {  	v3 =	vadd.s32 v0, v5;
	[tilespmem:$0x13C50] =	vst v2  }
0x27: {  	v2 =	vadd.s32 v0, v4;
	[tilespmem:$0x13C20] =	vst v3  }
0x28: {  	[tilespmem:$0x13C60] =	vst v2;
	v2 =	vadd.s32 v0, v6  }
0x29: {  	[tilespmem:$0x13C10] =	vst v2;
	v2 =	vadd.s32 v0, v7  }
0x2a: {  	[tilespmem:$0x13C40] =	vst v2;
	v1 =	vadd.s32 v0, v1  }
0x2b: {  	s20 =	simm.s32 $0x10;
	[tilespmem:$0x13C00] =	vst v1  }
.LBB2_2:
0x2c: {  	[tilespmem:s16], [sflag:$0x1] =	stream.indirect.gather [hbm4b:s1+s15], $0x80, s13, s15, $0xb8;
	[tilespmem:$0x17D00] =	vst v63  }
0x2d: {  	s21 =	smov.u32 s20  }
0x2e: {  	p1 =	sne.s32 s20, $0x9D0;
	s20 =	sadd.s32 $0x10, s20;
	_ =	swait.ge [sflag:s17], $0x4000  }
0x2f: {  	[sflag:s17] =	ssyncset.done $0x0  }
0x30: {  	[sflag:s17] =	ssyncadd.s32 $0xFFFFC000  }
0x31: {  	[spmem:s3] =	stream.indirect.scatter.add.f32 [tilespmem:s16], [sflag:$0x2], $0x80, s14, s15, $0xb8;
	[tilespmem:$0x17D00] =	vst v63  }
0x32: {  	_ =	swait.ge [sflag:s12], $0x4000  }
0x33: {  	[sflag:s12] =	ssyncset.done $0x0  }
0x34: {  	s22 =	sadd.s32 s21, s10;
	[sflag:s12] =	ssyncadd.s32 $0xFFFFC000  }
0x35: {  	[tilespmem:s13], [sflag:$0x2] =	stream.linear.gather [hbm4b:s22+s4], $0x80, $0x38;
	[tilespmem:$0x17D00] =	vst v63  }
0x36: {  	_ =	swait.ge [sflag:s12], $0x80  }
0x37: {  	[sflag:s12] =	ssyncset.done $0x0  }
0x38: {  	s21 =	sadd.s32 s21, s9;
	[sflag:s12] =	ssyncadd.s32 $0xFFFFFF80  }
0x39: {  	[tilespmem:s14], [sflag:$0x2] =	stream.linear.gather [hbm4b:s21+s4], $0x80, $0x38;
	[tilespmem:$0x17D00] =	vst v63  }
0x3a: {  	_ =	swait.ge [sflag:s12], $0x80  }
0x3b: {  	[sflag:s12] =	ssyncset.done $0x0  }
0x3c: {  	[sflag:s12] =	ssyncadd.s32 $0xFFFFFF80  }
0x3d: {  	v1 =	vld [tilespmem:$0x13C70]  }
0x3e: {  	v2 =	vld [tilespmem:$0x13C30]  }
0x3f: {  	v3 =	vld [tilespmem:$0x13C50]  }
0x40: {  	v4 =	vld [tilespmem:$0x13C60]  }
0x41: {  	v5 =	vld [tilespmem:$0x13C20]  }
0x42: {  	v6 =	vld [tilespmem:$0x13C10];
	v1 =	vadd.s32 v0, v1  }
0x43: {  	v2 =	vadd.s32 v0, v2;
	v7 =	vld [tilespmem:$0x13C40];
	[tilespmem:$0x13C70] =	vst v1  }
0x44: {  	v1 =	vld [tilespmem:$0x13C00];
	[tilespmem:$0x13C30] =	vst v2;
	v2 =	vadd.s32 v0, v3  }
0x45: {  	[tilespmem:$0x13C50] =	vst v2;
	v2 =	vadd.s32 v0, v4  }
.Ltmp0:
0x46: {  	v3 =	vadd.s32 v0, v5;
	[tilespmem:$0x13C60] =	vst v2;
	(pc) =	sbr.rel @p1 .LBB2_2-.Ltmp0, $4  }
0x47: {  	v2 =	vadd.s32 v0, v6;
	[tilespmem:$0x13C20] =	vst v3  }
0x48: {  	[tilespmem:$0x13C10] =	vst v2;
	v2 =	vadd.s32 v0, v7  }
0x49: {  	v1 =	vadd.s32 v0, v1;
	[tilespmem:$0x13C40] =	vst v2  }
0x4a: {  	[tilespmem:$0x13C00] =	vst v1  }
0x4b: {  	[tilespmem:s16], [sflag:$0x1] =	stream.indirect.gather [hbm4b:s1+s15], $0x80, s13, s15, $0xb8;
	[tilespmem:$0x17D00] =	vst v63  }
0x4c: {  	_ =	swait.ge [sflag:s17], $0x4000  }
0x4d: {  	[sflag:s17] =	ssyncset.done $0x0  }
0x4e: {  	[sflag:s17] =	ssyncadd.s32 $0xFFFFC000  }
0x4f: {  	[spmem:s3] =	stream.indirect.scatter.add.f32 [tilespmem:s16], [sflag:$0x2], $0x80, s14, s15, $0xb8;
	[tilespmem:$0x17D00] =	vst v63  }
0x50: {  	_ =	swait.ge [sflag:s12], $0x4000  }
0x51: {  	s19 =	sadd.s32 $0x1, s19;
	[sflag:s12] =	ssyncset.done $0x0  }
0x52: {  	p1 =	sne.s32 s19, s8;
	[sflag:s12] =	ssyncadd.s32 $0xFFFFC000  }
.Ltmp1:
0x53: {  	s20 =	simm.s32 @!p0 $0x2;
	[bflag:$0x0] =	sbarrier.arrive $0xFFFF;
	(pc) =	sbr.rel @p1 .LBB2_1-.Ltmp1, $4  }
0x54: {  	[hbm:s7], [sflag:s6] =	dma.local @!p0 [spmem:s18], $0x3E80  }
0x55: {  	_ =	swait.ge @!p0 [sflag:s20], $0x3E80  }
0x56: {  	[sflag:s20] =	ssyncset.done @!p0 $0x0  }
0x57: {  	[sflag:s20] =	ssyncadd.s32 @!p0 $0xFFFFC180  }
0x58: {  	_ =	sfence.sel $0x180000  }
0x59: {  	[bflag:$0x0] =	sbarrier.arrive $0xFFFF  }
0x5a: {  	p0 =	sne.s32 s0, $0x0;
	_ =	strace $0x9000004A  }
0x5b: {  	s0 =	sadd.s32 @!p0 $0x100000, s2;
	[bflag:$0x2] =	sbarrier.arrive $0xFFFF  }
0x5c: {  	[sflag:s0] =	ssyncadd.tile.s32 @!p0 $0x1;
	_ =	shalt  }
.Lfunc_end2:
_tile_overlayer_lowered:
.L_overlay_start_2:
0x5d: {  	(tag) =	ssettag $0x2  }
0x5e: {  	s0 =	rddreg [dreg:$0x0];
	s2 =	stileid.u32  }
0x5f: {  	s1 =	rddreg [dreg:$0x1];
	p0 =	sne.s32 s2, $0x0  }
0x60: {  	s3 =	rddreg [dreg:$0x2];
	[bflag:$0x3] =	sbarrier.arrive $0xFFFF;
	s2 =	simm.s32 @!p0 $0x1C02  }
0x61: {  	[timem:s3], [sflag:s2] =	dma.local @!p0 [hbm:s0], s1  }
0x62: {  	s0 =	simm.s32 @!p0 $0x2  }
0x63: {  	_ =	swait.ge @!p0 [sflag:s0], s1  }
0x64: {  	s1 =	ssub.s32 @!p0 $0x0, s1;
	[sflag:s0] =	ssyncset.done @!p0 $0x0  }
0x65: {  	[sflag:s0] =	ssyncadd.s32 @!p0 s1  }
0x66: {  	[bflag:$0x3] =	sbarrier.arrive $0xFFFF  }
0x67: {  	_ =	shalt  }

// kernel: kernel.15.cloned.1.call-start
scs
__scs_entry_jumppad:
0x0: {  	(pc) =	sbr.rel $0x88, $3  }
0x1: {  	(tag) =	ssettag $0x0;
	lr =	simm.s32 $0x1  }
0x2: {  	[smem:$0x3F9B] =	sst lr;
	_ =	strace $0xD0000000  }
0x3: {  	_ = 	snop  }
0x4: {  	_ = 	snop  }
0x5: {  	_ = 	snop  }
0x6: {  	_ = 	snop  }
0x7: {  	_ = 	snop  }
__scs_overlays_trampoline_lowered:
0x8: {  	[smem:$0x3FAA] =	sst s0  }
0x9: {  	[smem:$0x3FAB] =	sst s1  }
0xa: {  	[smem:$0x3FAC] =	sst s2  }
0xb: {  	[smem:$0x3FAD] =	sst s3  }
0xc: {  	[smem:$0x3FAE] =	sst s4  }
0xd: {  	[smem:$0x3FAF] =	sst s5  }
0xe: {  	[smem:$0x3FB0] =	sst s6  }
0xf: {  	[smem:$0x3FB1] =	sst s7  }
0x10: {  	[smem:$0x3FB2] =	sst s8  }
0x11: {  	[smem:$0x3FB3] =	sst s9;
	s0 =	simm.s32 @!p0 $0x0  }
0x12: {  	s1 =	sld [smem:$0x3F99];
	s0 =	simm.s32 @p0 $0x1  }
0x13: {  	[smem:$0x3FB4] =	sst s0;
	s0 =	simm.s32 @!p1 $0x0  }
0x14: {  	s2 =	sld [smem:$0x3F98];
	s0 =	simm.s32 @p1 $0x1  }
0x15: {  	[smem:$0x3FB5] =	sst s0;
	s0 =	simm.s32 @!p2 $0x0  }
0x16: {  	s3 =	sld [smem:$0x3FDB];
	s0 =	simm.s32 @p2 $0x1  }
0x17: {  	s4 =	simm.s32 $0x1BF5;
	[smem:$0x3FB7] =	sst s0  }
0x18: {  	s0 =	sld [smem:$0x3F9A];
	_ =	swait.ge [sflag:s4], $0x0  }
0x19: {  	s7 =	sld [smem:$0x3F9B]  }
0x1a: {  	s8 =	sadd.s32 $0xFFFFE003, lr  }
0x1b: {  	s9 =	sadd.s32 $0xFFFFFEF7, lr;
	s5 =	simm.s32 $0xFFFFFFFF;
	p2 =	slt.u32 s8, $0xFFFFF086  }
0x1c: {  	p1 =	slt.u32 s9, $0xF7A;
	s5 =	simm.s32 @!p2 $0x0  }
0x1d: {  	s5 =	simm.s32 @p1 $0x1;
	p0 =	seq.s32 s7, s2  }
0x1e: {  	s7 =	smul.u32 @!p0 $0xF7A, s2;
	p2 =	seq.s32 @!p0 s5, $0x0  }
0x1f: {  	s9 =	smul.u32 $0xF7A, s1;
	s8 =	simm.s32 @!p0 $0x1BF5;
	p2 =	por !p2, p0  }
0x20: {  	[sflag:s8] =	ssyncset.s32 @!p0 $0xFFFFF086;
	s6 =	sadd.s32 @!p0 s3, s7;
	s7 =	simm.s32 @!p0 $0x108  }
0x21: {  	s3 =	sadd.s32 s3, s9;
	s6 =	sadd.s32 @!p0 $0x88, s6;
	s7 =	simm.s32 @p2 $0x1082  }
0x22: {  	[simem:s7], [sflag:s8] =	dma.local @!p0 [hbm:s6], $0xF7A  }
0x23: {  	s9 =	sor.u32 $0xD0000000, s2;
	s6 =	simm.s32 $0x108;
	_ =	swait.ge @!p0 [sflag:s8], $0x0  }
0x24: {  	s3 =	sadd.s32 $0x88, s3;
	s6 =	simm.s32 @!p1 $0x1082;
	[sflag:s4] =	ssyncset.s32 $0xFFFFF086  }
0x25: {  	[simem:s6], [sflag:s4] =	dma.local [hbm:s3], $0xF7A  }
0x26: {  	[smem:$0x3F9B] =	sst s1;
	(tag) =	ssettag s2;
	_ =	strace s9  }
0x27: {  	s1 =	sld [smem:$0x3FAB]  }
0x28: {  	s2 =	sld [smem:$0x3FAC]  }
0x29: {  	s4 =	sld [smem:$0x3FAE]  }
0x2a: {  	p0 =	seq.s32 s5, $0x0;
	s5 =	sld [smem:$0x3FAF]  }
0x2b: {  	s6 =	sld [smem:$0x3FB0]  }
0x2c: {  	s7 =	sld [smem:$0x3FB1]  }
0x2d: {  	s3 =	simm.s32 $0x108;
	s8 =	sld [smem:$0x3FB2]  }
0x2e: {  	s3 =	simm.s32 @!p0 $0x1082;
	s9 =	sld [smem:$0x3FB3]  }
0x2f: {  	lr =	sadd.s32 s0, s3;
	s0 =	sld [smem:$0x3FAA]  }
0x30: {  	s3 =	sld [smem:$0x3FAD]  }
0x31: {  	[smem:$0x3FB6] =	sst s10  }
0x32: {  	s10 =	sld [smem:$0x3FB4];
	_ =	sdelay $0x3  }
0x33: {  	p0 =	seq.s32 s10, $0x1;
	s10 =	sld [smem:$0x3FB6];
	_ =	sdelay $0x3  }
0x34: {  	[smem:$0x3FB6] =	sst s10  }
0x35: {  	s10 =	sld [smem:$0x3FB5];
	_ =	sdelay $0x3  }
0x36: {  	p1 =	seq.s32 s10, $0x1;
	s10 =	sld [smem:$0x3FB6];
	_ =	sdelay $0x3  }
0x37: {  	[smem:$0x3FB6] =	sst s10  }
0x38: {  	s10 =	sld [smem:$0x3FB7]  }
0x39: {  	_ = 	snop;
	(pc) =	sbr.ind lr, $3  }
0x3a: {  	_ = 	snop  }
0x3b: {  	_ = 	snop  }
0x3c: {  	p2 =	seq.s32 s10, $0x1;
	s10 =	sld [smem:$0x3FB6]  }
0x3d: {  	_ =	shalt  }
0x3e: {  	_ =	shalt  }
0x3f: {  	_ =	shalt  }
0x40: {  	_ =	shalt  }
0x41: {  	_ =	shalt  }
0x42: {  	_ =	shalt  }
0x43: {  	_ =	shalt  }
0x44: {  	_ =	shalt  }
0x45: {  	_ =	shalt  }
0x46: {  	_ =	shalt  }
0x47: {  	_ =	shalt  }
0x48: {  	_ =	shalt  }
0x49: {  	_ =	shalt  }
0x4a: {  	_ =	shalt  }
0x4b: {  	_ =	shalt  }
0x4c: {  	_ =	shalt  }
0x4d: {  	_ =	shalt  }
0x4e: {  	_ =	shalt  }
0x4f: {  	_ =	shalt  }
0x50: {  	_ =	shalt  }
0x51: {  	_ =	shalt  }
0x52: {  	_ =	shalt  }
0x53: {  	_ =	shalt  }
0x54: {  	_ =	shalt  }
0x55: {  	_ =	shalt  }
0x56: {  	_ =	shalt  }
0x57: {  	_ =	shalt  }
0x58: {  	_ =	shalt  }
0x59: {  	_ =	shalt  }
0x5a: {  	_ =	shalt  }
0x5b: {  	_ =	shalt  }
0x5c: {  	_ =	shalt  }
0x5d: {  	_ =	shalt  }
0x5e: {  	_ =	shalt  }
0x5f: {  	_ =	shalt  }
0x60: {  	_ =	shalt  }
0x61: {  	_ =	shalt  }
0x62: {  	_ =	shalt  }
0x63: {  	_ =	shalt  }
0x64: {  	_ =	shalt  }
0x65: {  	_ =	shalt  }
0x66: {  	_ =	shalt  }
0x67: {  	_ =	shalt  }
0x68: {  	_ =	shalt  }
0x69: {  	_ =	shalt  }
0x6a: {  	_ =	shalt  }
0x6b: {  	_ =	shalt  }
0x6c: {  	_ =	shalt  }
0x6d: {  	_ =	shalt  }
0x6e: {  	_ =	shalt  }
0x6f: {  	_ =	shalt  }
0x70: {  	_ =	shalt  }
0x71: {  	_ =	shalt  }
0x72: {  	_ =	shalt  }
0x73: {  	_ =	shalt  }
0x74: {  	_ =	shalt  }
0x75: {  	_ =	shalt  }
0x76: {  	_ =	shalt  }
0x77: {  	_ =	shalt  }
0x78: {  	_ =	shalt  }
0x79: {  	_ =	shalt  }
0x7a: {  	_ =	shalt  }
0x7b: {  	_ =	shalt  }
0x7c: {  	_ =	shalt  }
0x7d: {  	_ =	shalt  }
0x7e: {  	_ =	shalt  }
0x7f: {  	_ =	shalt  }
0x80: {  	_ =	shalt  }
0x81: {  	_ =	shalt  }
0x82: {  	_ =	shalt  }
0x83: {  	_ =	shalt  }
0x84: {  	_ =	shalt  }
0x85: {  	_ =	shalt  }
0x86: {  	_ =	shalt  }
0x87: {  	_ =	shalt  }
.Lfunc_end0:
.L_simem_size_0:
called_computation.2_lowered:
.L_overlay_start_0:
0x88: {  	s2 =	sld [smem:$0x3FD9]  }
0x89: {  	s3 =	sld [smem:$0x3FFE];
	_ =	sdelay $0x1  }
0x8a: {  	s1 =	srdreg.scid  }
0x8b: {  	s0 =	sand.u32 $0x1, s1  }
0x8c: {  	s14 =	sshll.u32 s0, $0xA;
	s2 =	sadd.s32 s3, s2  }
0x8d: {  	s2 =	sadd.s32 s2, s14  }
0x8e: {  	[smem:$0x3FC2] =	sst s2  }
0x8f: {  	_ = 	snop  }
0x90: {  	s2 =	sld [smem:$0x3FD0];
	_ =	sdelay $0x2  }
0x91: {  	s15 =	simm.s32 $0xA;
	s4 =	simm.s32 $0x10  }
0x92: {  	[smem:s4], [sflag:s15] =	dma.local [hbm:s2], $0x1  }
0x93: {  	_ =	swait.eq [sflag:s15], $0x1  }
0x94: {  	[sflag:s15] =	ssyncset.done $0x0  }
0x95: {  	s16 =	sld [smem:$0x10];
	[sflag:s15] =	ssyncadd.s32 $0xFFFFFFFF  }
0x96: {  	s17 =	sld [smem:$0x11];
	(tm) =	ssettm $0x1  }
0x97: {  	s18 =	sld [smem:$0x3FFB];
	_ =	sdelay $0x3  }
0x98: {  	_ =	strace s18  }
0x99: {  	s4 =	sld [smem:$0x3FFC];
	_ =	sdelay $0x3  }
0x9a: {  	_ =	strace s4  }
0x9b: {  	s4 =	sld [smem:$0x3FFD];
	_ =	sdelay $0x3  }
0x9c: {  	_ =	strace s4  }
0x9d: {  	_ =	strace $0x8FFFFFFF  }
0x9e: {  	s19 =	sld [smem:$0x3FDB];
	_ =	sdelay $0x1  }
0x9f: {  	s5 =	simm.s32 $_scs_section_size  }
0xa0: {  	s6 =	simm.s32 $_size__tile_overlayer_lowered;
	s7 =	simm.s32 $_tile_overlayer_lowered  }
0xa1: {  	s22 =	simm.s32 $0x1BFF;
	s21 =	sshll.u32 s7, $0x1;
	s4 =	sadd.s32 s5, s19  }
0xa2: {  	s8 =	simm.s32 $0x0;
	s20 =	sshll.u32 s6, $0x1;
	s6 =	sadd.s32 s21, s4  }
0xa3: {  	[timem:s8], [sflag:s22] =	dma.local [hbm:s6], s20  }
0xa4: {  	_ =	swait.ge [sflag:s22], s20  }
0xa5: {  	s5 =	ssub.s32 $0x0, s20;
	[sflag:s22] =	ssyncset.done $0x0  }
0xa6: {  	[sflag:s22] =	ssyncadd.s32 s5;
	_ =	sdelay $0x1  }
0xa7: {  	s23 =	simm.s32 $0x1B8B  }
0xa8: {  	_ =	swait.ge [sflag:s23], $0x1  }
0xa9: {  	[sflag:s23] =	ssyncset.done $0x0  }
0xaa: {  	s25 =	simm.s32 $0x1B8E;
	s24 =	sld [smem:$0x3FFE];
	[sflag:s23] =	ssyncadd.s32 $0xFFFFFFFF  }
0xab: {  	s26 =	simm.s32 $execute0_lowered;
	[smem:$0x3FD2] =	sst s25  }
0xac: {  	s6 =	sshll.u32 s26, $0x1;
	_ =	strace $0x8000004C;
	[dreg:$0x1] =	wrdreg $0xFFFFFFFF  }
0xad: {  	s28 =	simm.s32 $_size_execute0_lowered;
	s4 =	sadd.s32 s4, s6;
	[dreg:$0x0] =	wrdreg $0x0  }
0xae: {  	s6 =	sshll.u32 s28, $0x1;
	[dreg:$0x2] =	wrdreg s4  }
0xaf: {  	[dreg:$0x3] =	wrdreg s6  }
0xb0: {  	[dreg:$0x4] =	wrdreg $0xC0  }
0xb1: {  	_ =	task [dreg:s8], $0x5FFFF  }
0xb2: {  	[dreg:$0x1] =	wrdreg $0xFFFFFFFF  }
0xb3: {  	[dreg:$0x0] =	wrdreg $0x60  }
0xb4: {  	[dreg:$0x2] =	wrdreg s17  }
0xb5: {  	[dreg:$0x3] =	wrdreg s24  }
0xb6: {  	[dreg:$0x4] =	wrdreg s16  }
0xb7: {  	[dreg:$0x5] =	wrdreg $0x0  }
0xb8: {  	[dreg:$0x6] =	wrdreg $0x9  }
0xb9: {  	_ =	task.clear_ibuf [dreg:s8], $0x7FFFF;
	_ =	strace $0x9000004C  }
0xba: {  	s29 =	simm.s32 $0x9;
	_ =	strace $0x8000004E  }
0xbb: {  	_ =	swait.ge [sflag:s29], $0x1  }
0xbc: {  	[sflag:s29] =	ssyncadd.s32 $0xFFFFFFFF  }
0xbd: {  	_ =	strace $0x9000004E  }
0xbe: {  	_ =	sfence  }
0xbf: {  	s30 =	sld [smem:$0x0];
	_ =	sdelay $0x2  }
0xc0: {  	s31 =	sshll.u32 s1, $0xD;
	s1 =	sshrl.u32 s1, $0x2  }
0xc1: {  	s3 =	sand.u32 $0x4000, s31;
	s1 =	sadd.s32 s1, s30  }
0xc2: {  	s0 =	sor.u32 s3, s0;
	s1 =	sshll.u32 s1, $0x11  }
0xc3: {  	s0 =	sor.u32 s1, s0  }
0xc4: {  	s0 =	sadd.s32 $0x8F2B, s0  }
0xc5: {  	[sflag:s0] =	ssyncadd.remote.s32 $0x1  }
0xc6: {  	_ =	sfence.sel $0xFFFF  }
0xc7: {  	[dreg:$0x0] =	wrdreg $0xFFFFFFFF;
	(pc) =	sbr.abs _section_cstart, $3  }
0xc8: {  	[dreg:$0x1] =	wrdreg $0xFFFFFFFF  }
0xc9: {  	_ =	task.clear_ibuf [dreg:s8], $0x2FFFF;
	_ =	strace $0x9FFFFFFF  }
0xca: {  	(tm) =	ssettm $0x7FFFFFFF  }
0xcb: {  	_ =	shalt  }
tec
execute0_lowered:
.L_overlay_start_1:
0x0: {  	(tag) =	ssettag $0x1  }
0x1: {  	s1 =	rddreg [dreg:$0x0]  }
0x2: {  	s5 =	rddreg [dreg:$0x1]  }
0x3: {  	s7 =	rddreg [dreg:$0x2]  }
0x4: {  	s3 =	rddreg [dreg:$0x3];
	s2 =	stileid.u32  }
0x5: {  	s0 =	rddreg [dreg:$0x4];
	s4 =	simm.s32 $0x0;
	s6 =	smul.u32 $0x9E0, s2  }
0x6: {  	s8 =	srdreg.scid;
	s16 =	simm.s32 $0x13D00;
	s28 =	smul.u32 $0x4F000, s2  }
0x7: {  	s17 =	simm.s32 $0x1;
	s19 =	simm.s32 $0x0;
	s11 =	smul.u32 $0x7D000, s2  }
0x8: {  	[smem:$0x7FF] =	sst s4;
	s26 =	sand.u32 $0x1, s8;
	s30 =	smul.u32 $0x3E80, s2  }
0x9: {  	s14 =	sshll.u32 s2, $0x6;
	p0 =	sgt.u32 s2, $0x9;
	s13 =	smul.u32 $0x27100, s26  }
0xa: {  	_ =	strace $0x8000004D;
	s10 =	ssub.s32 $0x2, s26;
	s15 =	smul.u32 $0x4F0, s26  }
0xb: {  	s9 =	sadd.s32 s6, s5;
	s5 =	sadd.s32 $0xC200, s5;
	s12 =	sshrl.u32 s10, $0x1  }
0xc: {  	s8 =	sshrl.u32 s28, $0x2;
	s11 =	sshrl.u32 s11, $0x2;
	s6 =	sor.u32 $0x1C02, s14  }
0xd: {  	s14 =	simm.s32 $0x13C80;
	s10 =	ssub.s32 s10, s12;
	s29 =	sadd.s32 s8, s3  }
0xe: {  	s18 =	sadd.s32 s11, s3;
	s8 =	sadd.s32 s30, s13;
	s31 =	sadd.s32 s15, s9  }
0xf: {  	s12 =	simm.s32 $0x2;
	s13 =	simm.s32 $0x13C00;
	s15 =	simm.s32 $0x80  }
0x10: {  	s7 =	sadd.s32 s7, s8;
	s8 =	smax.u32 s10, $0x1;
	s9 =	sadd.s32 $0x2400, s31  }
0x11: {  	s10 =	sadd.s32 $0x5CC00, s31;
	s11 =	sshrl.u32 s29, $0x3;
	s18 =	sshrl.u32 @!p0 s18, $0x3  }
.LBB2_1:
0x12: {  	[spmem:s11], [sflag:s6] =	dma.local [hbm:s5], $0x2780  }
0x13: {  	_ =	swait.ge [sflag:s12], $0x2780  }
0x14: {  	[sflag:s12] =	ssyncset.done $0x0  }
0x15: {  	[sflag:s12] =	ssyncadd.s32 $0xFFFFD880  }
0x16: {  	s20 =	sadd.s32 $0x0, s10;
	[bflag:$0x0] =	sbarrier.arrive $0xFFFF  }
0x17: {  	[tilespmem:s13], [sflag:$0x2] =	stream.linear.gather [hbm4b:s20+s4], $0x80, $0x38;
	[tilespmem:$0x17D00] =	vst v63  }
0x18: {  	_ =	swait.ge [sflag:s12], $0x80  }
0x19: {  	[sflag:s12] =	ssyncset.done $0x0  }
0x1a: {  	s31 =	sadd.s32 $0x0, s9;
	[sflag:s12] =	ssyncadd.s32 $0xFFFFFF80  }
0x1b: {  	[tilespmem:s14], [sflag:$0x2] =	stream.linear.gather [hbm4b:s31+s4], $0x80, $0x38;
	[tilespmem:$0x17D00] =	vst v63  }
0x1c: {  	_ =	swait.ge [sflag:s12], $0x80  }
0x1d: {  	[sflag:s12] =	ssyncset.done $0x0  }
0x1e: {  	[sflag:s12] =	ssyncadd.s32 $0xFFFFFF80  }
0x1f: {  	[tilespmem:s16], [sflag:$0x1] =	stream.indirect.gather [hbm4b:s1+s15], $0x80, s13, s15, $0xb8;
	[tilespmem:$0x17D00] =	vst v63  }
0x20: {  	_ =	swait.ge [sflag:s17], $0x4000  }
0x21: {  	[sflag:s17] =	ssyncset.done $0x0  }
0x22: {  	[sflag:s17] =	ssyncadd.s32 $0xFFFFC000  }
0x23: {  	[spmem:s3] =	stream.indirect.scatter.add.f32 [tilespmem:s16], [sflag:$0x2], $0x80, s14, s15, $0xb8;
	[tilespmem:$0x17D00] =	vst v63  }
0x24: {  	_ =	swait.ge [sflag:s12], $0x4000  }
0x25: {  	s21 =	simm.s32 $0x20;
	s20 =	simm.s32 $0x10;
	[sflag:s12] =	ssyncset.done $0x0  }
.LBB2_2:
0x26: {  	s22 =	sadd.s32 s20, s10  }
0x27: {  	[sflag:s12] =	ssyncadd.s32 $0xFFFFC000;
	s23 =	smov.u32 s21;
	s24 =	sadd.s32 $0x10, s21  }
0x28: {  	[tilespmem:s13], [sflag:$0x2] =	stream.linear.gather [hbm4b:s22+s4], $0x80, $0x38;
	[tilespmem:$0x17D00] =	vst v63  }
0x29: {  	p1 =	sne.s32 s21, $0x4E0;
	_ =	swait.ge [sflag:s12], $0x80  }
0x2a: {  	[sflag:s12] =	ssyncset.done $0x0  }
0x2b: {  	s21 =	sadd.s32 s20, s9;
	s20 =	smov.u32 s23;
	[sflag:s12] =	ssyncadd.s32 $0xFFFFFF80  }
0x2c: {  	[tilespmem:s14], [sflag:$0x2] =	stream.linear.gather [hbm4b:s21+s4], $0x80, $0x38;
	[tilespmem:$0x17D00] =	vst v63  }
0x2d: {  	_ =	swait.ge [sflag:s12], $0x80  }
0x2e: {  	[sflag:s12] =	ssyncset.done $0x0  }
0x2f: {  	[sflag:s12] =	ssyncadd.s32 $0xFFFFFF80  }
0x30: {  	[tilespmem:s16], [sflag:$0x1] =	stream.indirect.gather [hbm4b:s1+s15], $0x80, s13, s15, $0xb8;
	[tilespmem:$0x17D00] =	vst v63  }
0x31: {  	_ =	swait.ge [sflag:s17], $0x4000  }
.Ltmp0:
0x32: {  	[sflag:s17] =	ssyncset.done $0x0;
	(pc) =	sbr.rel @p1 .LBB2_2-.Ltmp0, $4  }
0x33: {  	[sflag:s17] =	ssyncadd.s32 $0xFFFFC000  }
0x34: {  	[spmem:s3] =	stream.indirect.scatter.add.f32 [tilespmem:s16], [sflag:$0x2], $0x80, s14, s15, $0xb8;
	[tilespmem:$0x17D00] =	vst v63  }
0x35: {  	_ =	swait.ge [sflag:s12], $0x4000  }
0x36: {  	s21 =	smov.u32 s24;
	[sflag:s12] =	ssyncset.done $0x0  }
0x37: {  	s21 =	sadd.s32 s20, s10;
	[sflag:s12] =	ssyncadd.s32 $0xFFFFC000  }
0x38: {  	[tilespmem:s13], [sflag:$0x2] =	stream.linear.gather [hbm4b:s21+s4], $0x80, $0x38;
	[tilespmem:$0x17D00] =	vst v63  }
0x39: {  	_ =	swait.ge [sflag:s12], $0x80  }
0x3a: {  	[sflag:s12] =	ssyncset.done $0x0  }
0x3b: {  	s31 =	sadd.s32 s20, s9;
	[sflag:s12] =	ssyncadd.s32 $0xFFFFFF80  }
0x3c: {  	[tilespmem:s14], [sflag:$0x2] =	stream.linear.gather [hbm4b:s31+s4], $0x80, $0x38;
	[tilespmem:$0x17D00] =	vst v63  }
0x3d: {  	_ =	swait.ge [sflag:s12], $0x80  }
0x3e: {  	[sflag:s12] =	ssyncset.done $0x0  }
0x3f: {  	[sflag:s12] =	ssyncadd.s32 $0xFFFFFF80  }
0x40: {  	[tilespmem:s16], [sflag:$0x1] =	stream.indirect.gather [hbm4b:s1+s15], $0x80, s13, s15, $0xb8;
	[tilespmem:$0x17D00] =	vst v63  }
0x41: {  	_ =	swait.ge [sflag:s17], $0x4000  }
0x42: {  	[sflag:s17] =	ssyncset.done $0x0  }
0x43: {  	[sflag:s17] =	ssyncadd.s32 $0xFFFFC000  }
0x44: {  	[spmem:s3] =	stream.indirect.scatter.add.f32 [tilespmem:s16], [sflag:$0x2], $0x80, s14, s15, $0xb8;
	[tilespmem:$0x17D00] =	vst v63  }
0x45: {  	_ =	swait.ge [sflag:s12], $0x4000  }
0x46: {  	s19 =	sadd.s32 $0x1, s19;
	[sflag:s12] =	ssyncset.done $0x0  }
0x47: {  	p1 =	sne.s32 s19, s8;
	[sflag:s12] =	ssyncadd.s32 $0xFFFFC000  }
.Ltmp1:
0x48: {  	s20 =	simm.s32 @!p0 $0x2;
	[bflag:$0x0] =	sbarrier.arrive $0xFFFF;
	(pc) =	sbr.rel @p1 .LBB2_1-.Ltmp1, $4  }
0x49: {  	[hbm:s7], [sflag:s6] =	dma.local @!p0 [spmem:s18], $0x3E80  }
0x4a: {  	_ =	swait.ge @!p0 [sflag:s20], $0x3E80  }
0x4b: {  	[sflag:s20] =	ssyncset.done @!p0 $0x0  }
0x4c: {  	[sflag:s20] =	ssyncadd.s32 @!p0 $0xFFFFC180  }
0x4d: {  	_ =	sfence.sel $0x180000  }
0x4e: {  	[bflag:$0x0] =	sbarrier.arrive $0xFFFF  }
0x4f: {  	p0 =	sne.s32 s2, $0x0;
	_ =	strace $0x9000004D  }
0x50: {  	s0 =	sadd.s32 @!p0 $0x100000, s0;
	[bflag:$0x2] =	sbarrier.arrive $0xFFFF  }
0x51: {  	[sflag:s0] =	ssyncadd.tile.s32 @!p0 $0x1;
	_ =	shalt  }
.Lfunc_end2:
_tile_overlayer_lowered:
.L_overlay_start_2:
0x52: {  	(tag) =	ssettag $0x2  }
0x53: {  	s0 =	rddreg [dreg:$0x0];
	s2 =	stileid.u32  }
0x54: {  	s1 =	rddreg [dreg:$0x1];
	p0 =	sne.s32 s2, $0x0  }
0x55: {  	s3 =	rddreg [dreg:$0x2];
	[bflag:$0x3] =	sbarrier.arrive $0xFFFF;
	s2 =	simm.s32 @!p0 $0x1C02  }
0x56: {  	[timem:s3], [sflag:s2] =	dma.local @!p0 [hbm:s0], s1  }
0x57: {  	s0 =	simm.s32 @!p0 $0x2  }
0x58: {  	_ =	swait.ge @!p0 [sflag:s0], s1  }
0x59: {  	s1 =	ssub.s32 @!p0 $0x0, s1;
	[sflag:s0] =	ssyncset.done @!p0 $0x0  }
0x5a: {  	[sflag:s0] =	ssyncadd.s32 @!p0 s1  }
0x5b: {  	[bflag:$0x3] =	sbarrier.arrive $0xFFFF  }
0x5c: {  	_ =	shalt  }

// kernel: kernel.9.cloned.1.call-start
scs
__scs_entry_jumppad:
0x0: {  	(pc) =	sbr.rel $0x88, $3  }
0x1: {  	(tag) =	ssettag $0x0;
	lr =	simm.s32 $0x1  }
0x2: {  	[smem:$0x3F9B] =	sst lr;
	_ =	strace $0xD0000000  }
0x3: {  	_ = 	snop  }
0x4: {  	_ = 	snop  }
0x5: {  	_ = 	snop  }
0x6: {  	_ = 	snop  }
0x7: {  	_ = 	snop  }
__scs_overlays_trampoline_lowered:
0x8: {  	[smem:$0x3FAA] =	sst s0  }
0x9: {  	[smem:$0x3FAB] =	sst s1  }
0xa: {  	[smem:$0x3FAC] =	sst s2  }
0xb: {  	[smem:$0x3FAD] =	sst s3  }
0xc: {  	[smem:$0x3FAE] =	sst s4  }
0xd: {  	[smem:$0x3FAF] =	sst s5  }
0xe: {  	[smem:$0x3FB0] =	sst s6  }
0xf: {  	[smem:$0x3FB1] =	sst s7  }
0x10: {  	[smem:$0x3FB2] =	sst s8  }
0x11: {  	[smem:$0x3FB3] =	sst s9;
	s0 =	simm.s32 @!p0 $0x0  }
0x12: {  	s1 =	sld [smem:$0x3F99];
	s0 =	simm.s32 @p0 $0x1  }
0x13: {  	[smem:$0x3FB4] =	sst s0;
	s0 =	simm.s32 @!p1 $0x0  }
0x14: {  	s2 =	sld [smem:$0x3F98];
	s0 =	simm.s32 @p1 $0x1  }
0x15: {  	[smem:$0x3FB5] =	sst s0;
	s0 =	simm.s32 @!p2 $0x0  }
0x16: {  	s3 =	sld [smem:$0x3FDB];
	s0 =	simm.s32 @p2 $0x1  }
0x17: {  	s4 =	simm.s32 $0x1BF5;
	[smem:$0x3FB7] =	sst s0  }
0x18: {  	s0 =	sld [smem:$0x3F9A];
	_ =	swait.ge [sflag:s4], $0x0  }
0x19: {  	s7 =	sld [smem:$0x3F9B]  }
0x1a: {  	s8 =	sadd.s32 $0xFFFFE003, lr  }
0x1b: {  	s9 =	sadd.s32 $0xFFFFFEF7, lr;
	s5 =	simm.s32 $0xFFFFFFFF;
	p2 =	slt.u32 s8, $0xFFFFF086  }
0x1c: {  	p1 =	slt.u32 s9, $0xF7A;
	s5 =	simm.s32 @!p2 $0x0  }
0x1d: {  	s5 =	simm.s32 @p1 $0x1;
	p0 =	seq.s32 s7, s2  }
0x1e: {  	s7 =	smul.u32 @!p0 $0xF7A, s2;
	p2 =	seq.s32 @!p0 s5, $0x0  }
0x1f: {  	s9 =	smul.u32 $0xF7A, s1;
	s8 =	simm.s32 @!p0 $0x1BF5;
	p2 =	por !p2, p0  }
0x20: {  	[sflag:s8] =	ssyncset.s32 @!p0 $0xFFFFF086;
	s6 =	sadd.s32 @!p0 s3, s7;
	s7 =	simm.s32 @!p0 $0x108  }
0x21: {  	s3 =	sadd.s32 s3, s9;
	s6 =	sadd.s32 @!p0 $0x88, s6;
	s7 =	simm.s32 @p2 $0x1082  }
0x22: {  	[simem:s7], [sflag:s8] =	dma.local @!p0 [hbm:s6], $0xF7A  }
0x23: {  	s9 =	sor.u32 $0xD0000000, s2;
	s6 =	simm.s32 $0x108;
	_ =	swait.ge @!p0 [sflag:s8], $0x0  }
0x24: {  	s3 =	sadd.s32 $0x88, s3;
	s6 =	simm.s32 @!p1 $0x1082;
	[sflag:s4] =	ssyncset.s32 $0xFFFFF086  }
0x25: {  	[simem:s6], [sflag:s4] =	dma.local [hbm:s3], $0xF7A  }
0x26: {  	[smem:$0x3F9B] =	sst s1;
	(tag) =	ssettag s2;
	_ =	strace s9  }
0x27: {  	s1 =	sld [smem:$0x3FAB]  }
0x28: {  	s2 =	sld [smem:$0x3FAC]  }
0x29: {  	s4 =	sld [smem:$0x3FAE]  }
0x2a: {  	p0 =	seq.s32 s5, $0x0;
	s5 =	sld [smem:$0x3FAF]  }
0x2b: {  	s6 =	sld [smem:$0x3FB0]  }
0x2c: {  	s7 =	sld [smem:$0x3FB1]  }
0x2d: {  	s3 =	simm.s32 $0x108;
	s8 =	sld [smem:$0x3FB2]  }
0x2e: {  	s3 =	simm.s32 @!p0 $0x1082;
	s9 =	sld [smem:$0x3FB3]  }
0x2f: {  	lr =	sadd.s32 s0, s3;
	s0 =	sld [smem:$0x3FAA]  }
0x30: {  	s3 =	sld [smem:$0x3FAD]  }
0x31: {  	[smem:$0x3FB6] =	sst s10  }
0x32: {  	s10 =	sld [smem:$0x3FB4];
	_ =	sdelay $0x3  }
0x33: {  	p0 =	seq.s32 s10, $0x1;
	s10 =	sld [smem:$0x3FB6];
	_ =	sdelay $0x3  }
0x34: {  	[smem:$0x3FB6] =	sst s10  }
0x35: {  	s10 =	sld [smem:$0x3FB5];
	_ =	sdelay $0x3  }
0x36: {  	p1 =	seq.s32 s10, $0x1;
	s10 =	sld [smem:$0x3FB6];
	_ =	sdelay $0x3  }
0x37: {  	[smem:$0x3FB6] =	sst s10  }
0x38: {  	s10 =	sld [smem:$0x3FB7]  }
0x39: {  	_ = 	snop;
	(pc) =	sbr.ind lr, $3  }
0x3a: {  	_ = 	snop  }
0x3b: {  	_ = 	snop  }
0x3c: {  	p2 =	seq.s32 s10, $0x1;
	s10 =	sld [smem:$0x3FB6]  }
0x3d: {  	_ =	shalt  }
0x3e: {  	_ =	shalt  }
0x3f: {  	_ =	shalt  }
0x40: {  	_ =	shalt  }
0x41: {  	_ =	shalt  }
0x42: {  	_ =	shalt  }
0x43: {  	_ =	shalt  }
0x44: {  	_ =	shalt  }
0x45: {  	_ =	shalt  }
0x46: {  	_ =	shalt  }
0x47: {  	_ =	shalt  }
0x48: {  	_ =	shalt  }
0x49: {  	_ =	shalt  }
0x4a: {  	_ =	shalt  }
0x4b: {  	_ =	shalt  }
0x4c: {  	_ =	shalt  }
0x4d: {  	_ =	shalt  }
0x4e: {  	_ =	shalt  }
0x4f: {  	_ =	shalt  }
0x50: {  	_ =	shalt  }
0x51: {  	_ =	shalt  }
0x52: {  	_ =	shalt  }
0x53: {  	_ =	shalt  }
0x54: {  	_ =	shalt  }
0x55: {  	_ =	shalt  }
0x56: {  	_ =	shalt  }
0x57: {  	_ =	shalt  }
0x58: {  	_ =	shalt  }
0x59: {  	_ =	shalt  }
0x5a: {  	_ =	shalt  }
0x5b: {  	_ =	shalt  }
0x5c: {  	_ =	shalt  }
0x5d: {  	_ =	shalt  }
0x5e: {  	_ =	shalt  }
0x5f: {  	_ =	shalt  }
0x60: {  	_ =	shalt  }
0x61: {  	_ =	shalt  }
0x62: {  	_ =	shalt  }
0x63: {  	_ =	shalt  }
0x64: {  	_ =	shalt  }
0x65: {  	_ =	shalt  }
0x66: {  	_ =	shalt  }
0x67: {  	_ =	shalt  }
0x68: {  	_ =	shalt  }
0x69: {  	_ =	shalt  }
0x6a: {  	_ =	shalt  }
0x6b: {  	_ =	shalt  }
0x6c: {  	_ =	shalt  }
0x6d: {  	_ =	shalt  }
0x6e: {  	_ =	shalt  }
0x6f: {  	_ =	shalt  }
0x70: {  	_ =	shalt  }
0x71: {  	_ =	shalt  }
0x72: {  	_ =	shalt  }
0x73: {  	_ =	shalt  }
0x74: {  	_ =	shalt  }
0x75: {  	_ =	shalt  }
0x76: {  	_ =	shalt  }
0x77: {  	_ =	shalt  }
0x78: {  	_ =	shalt  }
0x79: {  	_ =	shalt  }
0x7a: {  	_ =	shalt  }
0x7b: {  	_ =	shalt  }
0x7c: {  	_ =	shalt  }
0x7d: {  	_ =	shalt  }
0x7e: {  	_ =	shalt  }
0x7f: {  	_ =	shalt  }
0x80: {  	_ =	shalt  }
0x81: {  	_ =	shalt  }
0x82: {  	_ =	shalt  }
0x83: {  	_ =	shalt  }
0x84: {  	_ =	shalt  }
0x85: {  	_ =	shalt  }
0x86: {  	_ =	shalt  }
0x87: {  	_ =	shalt  }
.Lfunc_end0:
.L_simem_size_0:
called_computation_lowered:
.L_overlay_start_0:
0x88: {  	s2 =	sld [smem:$0x3FD9]  }
0x89: {  	s3 =	sld [smem:$0x3FFE];
	_ =	sdelay $0x1  }
0x8a: {  	s1 =	srdreg.scid  }
0x8b: {  	s0 =	sand.u32 $0x1, s1  }
0x8c: {  	s14 =	sshll.u32 s0, $0xA;
	s2 =	sadd.s32 s3, s2  }
0x8d: {  	s2 =	sadd.s32 s2, s14  }
0x8e: {  	[smem:$0x3FC2] =	sst s2  }
0x8f: {  	_ = 	snop  }
0x90: {  	s2 =	sld [smem:$0x3FD0];
	_ =	sdelay $0x2  }
0x91: {  	s15 =	simm.s32 $0xA;
	s4 =	simm.s32 $0x10  }
0x92: {  	[smem:s4], [sflag:s15] =	dma.local [hbm:s2], $0x1  }
0x93: {  	_ =	swait.eq [sflag:s15], $0x1  }
0x94: {  	[sflag:s15] =	ssyncset.done $0x0  }
0x95: {  	[sflag:s15] =	ssyncadd.s32 $0xFFFFFFFF  }
0x96: {  	s16 =	sld [smem:$0x11];
	(tm) =	ssettm $0x1  }
0x97: {  	s17 =	sld [smem:$0x3FFB];
	_ =	sdelay $0x3  }
0x98: {  	_ =	strace s17  }
0x99: {  	s3 =	sld [smem:$0x3FFC];
	_ =	sdelay $0x3  }
0x9a: {  	_ =	strace s3  }
0x9b: {  	s3 =	sld [smem:$0x3FFD];
	_ =	sdelay $0x3  }
0x9c: {  	_ =	strace s3  }
0x9d: {  	_ =	strace $0x8FFFFFFF  }
0x9e: {  	s18 =	sld [smem:$0x3FDB];
	_ =	sdelay $0x1  }
0x9f: {  	s19 =	simm.s32 $_scs_section_size  }
0xa0: {  	s5 =	simm.s32 $_size__tile_overlayer_lowered;
	s6 =	simm.s32 $_tile_overlayer_lowered  }
0xa1: {  	s22 =	simm.s32 $0x1BFF;
	s21 =	sshll.u32 s6, $0x1;
	s3 =	sadd.s32 s19, s18  }
0xa2: {  	s7 =	simm.s32 $0x0;
	s20 =	sshll.u32 s5, $0x1;
	s5 =	sadd.s32 s21, s3  }
0xa3: {  	[timem:s7], [sflag:s22] =	dma.local [hbm:s5], s20  }
0xa4: {  	_ =	swait.ge [sflag:s22], s20  }
0xa5: {  	s4 =	ssub.s32 $0x0, s20;
	[sflag:s22] =	ssyncset.done $0x0  }
0xa6: {  	[sflag:s22] =	ssyncadd.s32 s4;
	_ =	sdelay $0x1  }
0xa7: {  	s23 =	simm.s32 $0x1B8B  }
0xa8: {  	_ =	swait.ge [sflag:s23], $0x1  }
0xa9: {  	[sflag:s23] =	ssyncset.done $0x0  }
0xaa: {  	s25 =	simm.s32 $0x1B8E;
	s24 =	sld [smem:$0x3FFE];
	[sflag:s23] =	ssyncadd.s32 $0xFFFFFFFF  }
0xab: {  	s26 =	simm.s32 $execute0_lowered;
	[smem:$0x3FD2] =	sst s25  }
0xac: {  	s5 =	sshll.u32 s26, $0x1;
	_ =	strace $0x80000046;
	[dreg:$0x1] =	wrdreg $0xFFFFFFFF  }
0xad: {  	s28 =	simm.s32 $_size_execute0_lowered;
	s3 =	sadd.s32 s3, s5;
	[dreg:$0x0] =	wrdreg $0x0  }
0xae: {  	s5 =	sshll.u32 s28, $0x1;
	[dreg:$0x2] =	wrdreg s3  }
0xaf: {  	[dreg:$0x3] =	wrdreg s5  }
0xb0: {  	[dreg:$0x4] =	wrdreg $0xC0  }
0xb1: {  	_ =	task [dreg:s7], $0x5FFFF  }
0xb2: {  	[dreg:$0x1] =	wrdreg $0xFFFFFFFF  }
0xb3: {  	[dreg:$0x0] =	wrdreg $0x60  }
0xb4: {  	[dreg:$0x2] =	wrdreg s24  }
0xb5: {  	[dreg:$0x3] =	wrdreg s16  }
0xb6: {  	[dreg:$0x4] =	wrdreg $0x0  }
0xb7: {  	[dreg:$0x5] =	wrdreg $0x9  }
0xb8: {  	_ =	task.clear_ibuf [dreg:s7], $0x6FFFF;
	_ =	strace $0x90000046  }
0xb9: {  	s29 =	simm.s32 $0x9;
	_ =	strace $0x80000048  }
0xba: {  	_ =	swait.ge [sflag:s29], $0x1  }
0xbb: {  	[sflag:s29] =	ssyncadd.s32 $0xFFFFFFFF  }
0xbc: {  	_ =	strace $0x90000048  }
0xbd: {  	_ =	sfence  }
0xbe: {  	s30 =	sld [smem:$0x0];
	_ =	sdelay $0x2  }
0xbf: {  	s31 =	sshll.u32 s1, $0xD;
	s1 =	sshrl.u32 s1, $0x2  }
0xc0: {  	s3 =	sand.u32 $0x4000, s31;
	s1 =	sadd.s32 s1, s30  }
0xc1: {  	s0 =	sor.u32 s3, s0;
	s1 =	sshll.u32 s1, $0x11  }
0xc2: {  	s0 =	sor.u32 s1, s0  }
0xc3: {  	s0 =	sadd.s32 $0x8F2B, s0  }
0xc4: {  	[sflag:s0] =	ssyncadd.remote.s32 $0x1  }
0xc5: {  	_ =	sfence.sel $0xFFFF  }
0xc6: {  	[dreg:$0x0] =	wrdreg $0xFFFFFFFF;
	(pc) =	sbr.abs _section_cstart, $3  }
0xc7: {  	[dreg:$0x1] =	wrdreg $0xFFFFFFFF  }
0xc8: {  	_ =	task.clear_ibuf [dreg:s7], $0x2FFFF;
	_ =	strace $0x9FFFFFFF  }
0xc9: {  	(tm) =	ssettm $0x7FFFFFFF  }
tec
execute0_lowered:
.L_overlay_start_1:
0x0: {  	(tag) =	ssettag $0x1  }
0x1: {  	s6 =	rddreg [dreg:$0x0]  }
0x2: {  	s2 =	rddreg [dreg:$0x1]  }
0x3: {  	s3 =	rddreg [dreg:$0x2]  }
0x4: {  	s0 =	rddreg [dreg:$0x3];
	s1 =	stileid.u32  }
0x5: {  	s5 =	srdreg.scid;
	s4 =	simm.s32 $0x0;
	s7 =	smul.u32 $0x9E0, s1  }
0x6: {  	s16 =	simm.s32 $0x0;
	s8 =	sand.u32 $0x1, s5;
	s24 =	smul.u32 $0x3E80, s1  }
0x7: {  	[smem:$0x7FF] =	sst s4;
	s5 =	sadd.s32 $0xC200, s6;
	s12 =	smul.u32 $0x4F000, s1  }
0x8: {  	s13 =	smul.u32 $0x7D000, s1;
	s28 =	sshll.u32 s1, $0x6;
	p0 =	sgt.u32 s1, $0x9  }
0x9: {  	s9 =	smul.u32 $0x27100, s8;
	_ =	strace $0x80000047;
	s11 =	ssub.s32 $0x2, s8  }
0xa: {  	s30 =	smul.u32 $0x4F0, s8;
	s10 =	sadd.s32 s7, s6;
	s25 =	sshrl.u32 s11, $0x1  }
0xb: {  	s26 =	sshrl.u32 s12, $0x2;
	s29 =	sshrl.u32 s13, $0x2;
	s12 =	simm.s32 $0x13C00  }
0xc: {  	s13 =	simm.s32 $0x17C00;
	s7 =	sadd.s32 s24, s9;
	s9 =	ssub.s32 s11, s25  }
0xd: {  	s14 =	sadd.s32 s26, s3;
	s15 =	sadd.s32 s29, s3;
	s31 =	sadd.s32 s30, s10  }
0xe: {  	s11 =	simm.s32 $0x1;
	s7 =	sadd.s32 s7, s6;
	s6 =	sor.u32 $0x1C01, s28  }
0xf: {  	s8 =	smax.u32 s9, $0x1;
	s9 =	sadd.s32 $0x2400, s31;
	s10 =	sshrl.u32 s14, $0x3  }
0x10: {  	s14 =	simm.s32 $0x80;
	s15 =	sshrl.u32 @!p0 s15, $0x3;
	s7 =	sadd.s32 $0xEA00, s7  }
.LBB2_1:
0x11: {  	[spmem:s10], [sflag:s6] =	dma.local [hbm:s5], $0x2780  }
0x12: {  	_ =	swait.ge [sflag:s11], $0x2780  }
0x13: {  	[sflag:s11] =	ssyncset.done $0x0  }
0x14: {  	[sflag:s11] =	ssyncadd.s32 $0xFFFFD880  }
0x15: {  	[tilespmem:s12], [sflag:$0x1] =	stream.linear.gather [hbm4b:s2+s4], $0x4000, $0x38;
	[tilespmem:$0x17C80] =	vst v63  }
0x16: {  	_ =	swait.ge [sflag:s11], $0x4000  }
0x17: {  	[sflag:s11] =	ssyncset.done $0x0  }
0x18: {  	[sflag:s11] =	ssyncadd.s32 $0xFFFFC000  }
0x19: {  	s17 =	sadd.s32 $0x0, s9;
	[bflag:$0x0] =	sbarrier.arrive $0xFFFF  }
0x1a: {  	[tilespmem:s13], [sflag:$0x1] =	stream.linear.gather [hbm4b:s17+s4], $0x80, $0x38;
	[tilespmem:$0x17C80] =	vst v63  }
0x1b: {  	_ =	swait.ge [sflag:s11], $0x80  }
0x1c: {  	[sflag:s11] =	ssyncset.done $0x0  }
0x1d: {  	[sflag:s11] =	ssyncadd.s32 $0xFFFFFF80  }
0x1e: {  	[spmem:s3] =	stream.indirect.scatter.add.f32 [tilespmem:s12], [sflag:$0x1], $0x80, s13, s14, $0xb8;
	[tilespmem:$0x17C80] =	vst v63  }
0x1f: {  	_ =	swait.ge [sflag:s11], $0x4000  }
0x20: {  	s18 =	simm.s32 $0x20;
	s17 =	simm.s32 $0x10;
	[sflag:s11] =	ssyncset.done $0x0  }
.LBB2_2:
0x21: {  	s19 =	sadd.s32 s17, s9  }
0x22: {  	[sflag:s11] =	ssyncadd.s32 $0xFFFFC000;
	s17 =	smov.u32 s18;
	s20 =	sadd.s32 $0x10, s18  }
0x23: {  	[tilespmem:s13], [sflag:$0x1] =	stream.linear.gather [hbm4b:s19+s4], $0x80, $0x38;
	[tilespmem:$0x17C80] =	vst v63  }
0x24: {  	p1 =	sne.s32 s18, $0x4E0;
	_ =	swait.ge [sflag:s11], $0x80  }
.Ltmp0:
0x25: {  	[sflag:s11] =	ssyncset.done $0x0;
	(pc) =	sbr.rel @p1 .LBB2_2-.Ltmp0, $4  }
0x26: {  	[sflag:s11] =	ssyncadd.s32 $0xFFFFFF80  }
0x27: {  	[spmem:s3] =	stream.indirect.scatter.add.f32 [tilespmem:s12], [sflag:$0x1], $0x80, s13, s14, $0xb8;
	[tilespmem:$0x17C80] =	vst v63  }
0x28: {  	_ =	swait.ge [sflag:s11], $0x4000  }
0x29: {  	s18 =	smov.u32 s20;
	[sflag:s11] =	ssyncset.done $0x0  }
0x2a: {  	s17 =	sadd.s32 s17, s9;
	[sflag:s11] =	ssyncadd.s32 $0xFFFFC000  }
0x2b: {  	[tilespmem:s13], [sflag:$0x1] =	stream.linear.gather [hbm4b:s17+s4], $0x80, $0x38;
	[tilespmem:$0x17C80] =	vst v63  }
0x2c: {  	_ =	swait.ge [sflag:s11], $0x80  }
0x2d: {  	[sflag:s11] =	ssyncset.done $0x0  }
0x2e: {  	[sflag:s11] =	ssyncadd.s32 $0xFFFFFF80  }
0x2f: {  	[spmem:s3] =	stream.indirect.scatter.add.f32 [tilespmem:s12], [sflag:$0x1], $0x80, s13, s14, $0xb8;
	[tilespmem:$0x17C80] =	vst v63  }
0x30: {  	_ =	swait.ge [sflag:s11], $0x4000  }
0x31: {  	s16 =	sadd.s32 $0x1, s16;
	[sflag:s11] =	ssyncset.done $0x0  }
0x32: {  	p1 =	sne.s32 s16, s8;
	[sflag:s11] =	ssyncadd.s32 $0xFFFFC000  }
.Ltmp1:
0x33: {  	s17 =	simm.s32 @!p0 $0x1;
	[bflag:$0x0] =	sbarrier.arrive $0xFFFF;
	(pc) =	sbr.rel @p1 .LBB2_1-.Ltmp1, $4  }
0x34: {  	[hbm:s7], [sflag:s6] =	dma.local @!p0 [spmem:s15], $0x3E80  }
0x35: {  	_ =	swait.ge @!p0 [sflag:s17], $0x3E80  }
0x36: {  	[sflag:s17] =	ssyncset.done @!p0 $0x0  }
0x37: {  	[sflag:s17] =	ssyncadd.s32 @!p0 $0xFFFFC180  }
0x38: {  	_ =	sfence.sel $0x180000  }
0x39: {  	[bflag:$0x0] =	sbarrier.arrive $0xFFFF  }
0x3a: {  	p0 =	sne.s32 s1, $0x0;
	_ =	strace $0x90000047  }
0x3b: {  	s0 =	sadd.s32 @!p0 $0x100000, s0;
	[bflag:$0x2] =	sbarrier.arrive $0xFFFF  }
0x3c: {  	[sflag:s0] =	ssyncadd.tile.s32 @!p0 $0x1;
	_ =	shalt  }
.Lfunc_end2:
_tile_overlayer_lowered:
.L_overlay_start_2:
0x3d: {  	(tag) =	ssettag $0x2  }
0x3e: {  	s0 =	rddreg [dreg:$0x0];
	s2 =	stileid.u32  }
0x3f: {  	s1 =	rddreg [dreg:$0x1];
	p0 =	sne.s32 s2, $0x0  }
0x40: {  	s3 =	rddreg [dreg:$0x2];
	[bflag:$0x3] =	sbarrier.arrive $0xFFFF;
	s2 =	simm.s32 @!p0 $0x1C01  }
0x41: {  	[timem:s3], [sflag:s2] =	dma.local @!p0 [hbm:s0], s1  }
0x42: {  	s0 =	simm.s32 @!p0 $0x1  }
0x43: {  	_ =	swait.ge @!p0 [sflag:s0], s1  }
0x44: {  	s1 =	ssub.s32 @!p0 $0x0, s1;
	[sflag:s0] =	ssyncset.done @!p0 $0x0  }
0x45: {  	[sflag:s0] =	ssyncadd.s32 @!p0 s1  }
0x46: {  	[bflag:$0x3] =	sbarrier.arrive $0xFFFF  }
0x47: {  	_ =	shalt  }

</sc_bundles>
